<compile_context>
chip_gen: v7x
topology: tpu7x:2x2x1
jax: 0.10.2.dev20260603
libtpu: 0.0.44.dev20260713+nightly
codegen_flags: <defaults>
</compile_context>

<pallas_src>
import jax
import jax.numpy as jnp
from jax import lax
from jax.experimental import pallas as pl
from jax.experimental.pallas import tpu as pltpu
from jax.experimental.pallas import tpu_sc as plsc

B, N, K = 8, 1024, 16
CIN, COUT, M = 64, 64, 8
NK = N * K
R = B * NK
EPS = 1e-5

TK = 4096
NT = NK // TK
AN = 256
FN = 512

SC_CORES = 2
SC_SUBCORES = 16
SC_WORKERS = SC_CORES * SC_SUBCORES
SC_CH = 128
PER_W = R // SC_WORKERS
SC_NCH = PER_W // SC_CH


def _h_body(x_ref, w_ref, g_ref, b_ref, out_ref):
    w = w_ref[...]
    ys = []
    s = jnp.zeros((CIN, 1), jnp.float32)
    q = jnp.zeros((CIN, 1), jnp.float32)
    for b in range(B):
        y = jnp.dot(w, x_ref[b], preferred_element_type=jnp.float32)
        ys.append(y)
        s = s + jnp.sum(y, axis=1, keepdims=True)
        q = q + jnp.sum(y * y, axis=1, keepdims=True)
    cnt = float(B * N)
    mean = s / cnt
    var = q / cnt - mean * mean
    scale = g_ref[...] * lax.rsqrt(var + EPS)
    shift = b_ref[...] - mean * scale
    for b in range(B):
        z = jnp.maximum(ys[b] * scale + shift, 0.0)
        out_ref[b] = z.T


def _compute_hT(x, conv1_w, bn1_g, bn1_b):
    return pl.pallas_call(
        _h_body,
        out_shape=jax.ShapeDtypeStruct((B, N, CIN), jnp.float32),
    )(x, conv1_w, bn1_g.reshape(CIN, 1), bn1_b.reshape(CIN, 1))


def _idx_body(i_ref, o_ref):
    b = pl.program_id(0)
    o_ref[0] = i_ref[0].T + b * N


def _prep_idx(idx):
    return pl.pallas_call(
        _idx_body,
        grid=(B,),
        in_specs=[pl.BlockSpec((1, N, K), lambda b: (b, 0, 0))],
        out_specs=pl.BlockSpec((1, K, N), lambda b: (b, 0, 0)),
        out_shape=jax.ShapeDtypeStruct((B, K, N), jnp.int32),
    )(idx)


def _sc_gather_body(table_hbm, gidx_hbm, out_hbm, idx_v, rows_v, sem):
    wid = lax.axis_index("s") * SC_CORES + lax.axis_index("c")
    base = wid * PER_W

    def chunk(c, carry):
        off = base + c * SC_CH
        pltpu.sync_copy(gidx_hbm.at[pl.ds(off, SC_CH)], idx_v)
        pltpu.async_copy(table_hbm.at[idx_v], rows_v, sem).wait()
        pltpu.sync_copy(rows_v, out_hbm.at[pl.ds(off, SC_CH)])
        return carry

    lax.fori_loop(0, SC_NCH, chunk, 0)


def _gather_rows(table, gidx):
    mesh = plsc.VectorSubcoreMesh(
        core_axis_name="c", subcore_axis_name="s",
        num_cores=SC_CORES, num_subcores=SC_SUBCORES)
    fn = pl.kernel(
        _sc_gather_body,
        out_type=jax.ShapeDtypeStruct((R, CIN), jnp.float32),
        mesh=mesh,
        compiler_params=pltpu.CompilerParams(use_tc_tiling_on_sc=False),
        scratch_types=[
            pltpu.VMEM((SC_CH,), jnp.int32),
            pltpu.VMEM((SC_CH, CIN), jnp.float32),
            pltpu.SemaphoreType.DMA,
        ],
    )
    return fn(table, gidx)


def _layer0_body(s_ref, w_ref, y_ref, st_ref, acc_ref):
    t = pl.program_id(0) * pl.num_programs(1) + pl.program_id(1)
    y = jnp.dot(w_ref[...], s_ref[0], preferred_element_type=jnp.float32)
    y_ref[0] = y

    @pl.when(t == 0)
    def _():
        acc_ref[...] = jnp.zeros_like(acc_ref)

    acc_ref[...] += jnp.concatenate(
        [jnp.sum(y, axis=1, keepdims=True),
         jnp.sum(y * y, axis=1, keepdims=True)], axis=1)

    @pl.when(t == pl.num_programs(0) * pl.num_programs(1) - 1)
    def _():
        st_ref[...] = acc_ref[...]


def _mid_body(y_ref, st_ref, g_ref, b_ref, w_ref, o_ref, sto_ref, acc_ref):
    t = pl.program_id(0) * pl.num_programs(1) + pl.num_programs(1) * 0 + pl.program_id(1)
    cnt = float(R)
    st = st_ref[...]
    mean = st[:, 0:1] / cnt
    var = st[:, 1:2] / cnt - mean * mean
    scale = g_ref[...] * lax.rsqrt(var + EPS)
    shift = b_ref[...] - mean * scale
    z = jnp.maximum(y_ref[0] * scale + shift, 0.0)
    y = jnp.dot(w_ref[...], z, preferred_element_type=jnp.float32)
    o_ref[0] = y

    @pl.when(t == 0)
    def _():
        acc_ref[...] = jnp.zeros_like(acc_ref)

    acc_ref[...] += jnp.concatenate(
        [jnp.sum(y, axis=1, keepdims=True),
         jnp.sum(y * y, axis=1, keepdims=True)], axis=1)

    @pl.when(t == pl.num_programs(0) * pl.num_programs(1) - 1)
    def _():
        sto_ref[...] = acc_ref[...]


def _s4_body(y_ref, st_ref, g_ref, b_ref, w_ref, bias_ref, score_ref):
    cnt = float(R)
    st = st_ref[...]
    mean = st[:, 0:1] / cnt
    var = st[:, 1:2] / cnt - mean * mean
    scale = g_ref[...] * lax.rsqrt(var + EPS)
    shift = b_ref[...] - mean * scale
    z = jnp.maximum(y_ref[0] * scale + shift, 0.0)
    y3 = jnp.dot(w_ref[...], z, preferred_element_type=jnp.float32) + bias_ref[...]
    mx = jnp.max(y3, axis=0, keepdims=True)
    e = jnp.exp(y3 - mx)
    sm = e / jnp.sum(e, axis=0, keepdims=True)
    score_ref[0] = sm.T


def _layer0(xyz, w):
    ci, co = w.shape[1], w.shape[0]
    return pl.pallas_call(
        _layer0_body,
        grid=(B, NT),
        in_specs=[
            pl.BlockSpec((1, ci, TK), lambda b, t: (b, 0, t)),
            pl.BlockSpec((co, ci), lambda b, t: (0, 0)),
        ],
        out_specs=[
            pl.BlockSpec((1, co, TK), lambda b, t: (b, 0, t)),
            pl.BlockSpec((co, 2), lambda b, t: (0, 0)),
        ],
        out_shape=[
            jax.ShapeDtypeStruct((B, co, NK), jnp.float32),
            jax.ShapeDtypeStruct((co, 2), jnp.float32),
        ],
        scratch_shapes=[pltpu.VMEM((co, 2), jnp.float32)],
    )(xyz, w)


def _mid_layer(y, st, g, b, w):
    ci, co = w.shape[1], w.shape[0]
    return pl.pallas_call(
        _mid_body,
        grid=(B, NT),
        in_specs=[
            pl.BlockSpec((1, ci, TK), lambda bb, t: (bb, 0, t)),
            pl.BlockSpec((ci, 2), lambda bb, t: (0, 0)),
            pl.BlockSpec((ci, 1), lambda bb, t: (0, 0)),
            pl.BlockSpec((ci, 1), lambda bb, t: (0, 0)),
            pl.BlockSpec((co, ci), lambda bb, t: (0, 0)),
        ],
        out_specs=[
            pl.BlockSpec((1, co, TK), lambda bb, t: (bb, 0, t)),
            pl.BlockSpec((co, 2), lambda bb, t: (0, 0)),
        ],
        out_shape=[
            jax.ShapeDtypeStruct((B, co, NK), jnp.float32),
            jax.ShapeDtypeStruct((co, 2), jnp.float32),
        ],
        scratch_shapes=[pltpu.VMEM((co, 2), jnp.float32)],
    )(y, st, g.reshape(ci, 1), b.reshape(ci, 1), w)


def _last_layer(y, st, g, b, w, bias):
    ci, co = w.shape[1], w.shape[0]
    return pl.pallas_call(
        _s4_body,
        grid=(B, NT),
        in_specs=[
            pl.BlockSpec((1, ci, TK), lambda bb, t: (bb, 0, t)),
            pl.BlockSpec((ci, 2), lambda bb, t: (0, 0)),
            pl.BlockSpec((ci, 1), lambda bb, t: (0, 0)),
            pl.BlockSpec((ci, 1), lambda bb, t: (0, 0)),
            pl.BlockSpec((co, ci), lambda bb, t: (0, 0)),
            pl.BlockSpec((co, 1), lambda bb, t: (0, 0)),
        ],
        out_specs=pl.BlockSpec((1, TK, co), lambda bb, t: (bb, t, 0)),
        out_shape=jax.ShapeDtypeStruct((B, NK, co), jnp.float32),
    )(y, st, g.reshape(ci, 1), b.reshape(ci, 1), w, bias.reshape(co, 1))


def _agg_body(hg_ref, sc_ref, w2_ref, o_ref, st_ref, acc_ref):
    t = pl.program_id(0) * pl.num_programs(1) + pl.program_id(1)
    hgv = hg_ref[0]
    scv = jnp.transpose(sc_ref[0], (1, 0, 2))
    acc = jnp.zeros((AN, COUT), jnp.float32)
    for m in range(M):
        w = scv[:, :, m:m + 1]
        am = jnp.sum(hgv * w, axis=0)

        acc = acc + jnp.dot(am, w2_ref[m], preferred_element_type=jnp.float32)
    o_ref[0] = acc

    @pl.when(t == 0)
    def _():
        acc_ref[...] = jnp.zeros_like(acc_ref)

    acc_ref[...] += jnp.concatenate(
        [jnp.sum(acc, axis=0, keepdims=True),
         jnp.sum(acc * acc, axis=0, keepdims=True)], axis=0)

    @pl.when(t == pl.num_programs(0) * pl.num_programs(1) - 1)
    def _():
        st_ref[...] = acc_ref[...]


def _aggregate(hg, sc4, w2r):
    return pl.pallas_call(
        _agg_body,
        grid=(B, N // AN),
        in_specs=[
            pl.BlockSpec((1, K, AN, CIN), lambda b, t: (b, 0, t, 0)),
            pl.BlockSpec((1, AN, K, M), lambda b, t: (b, t, 0, 0)),
            pl.BlockSpec((M, CIN, COUT), lambda b, t: (0, 0, 0)),
        ],
        out_specs=[
            pl.BlockSpec((1, AN, COUT), lambda b, t: (b, t, 0)),
            pl.BlockSpec((2, COUT), lambda b, t: (0, 0)),
        ],
        out_shape=[
            jax.ShapeDtypeStruct((B, N, COUT), jnp.float32),
            jax.ShapeDtypeStruct((2, COUT), jnp.float32),
        ],
        scratch_shapes=[pltpu.VMEM((2, COUT), jnp.float32)],
    )(hg, sc4, w2r)


def _fin_body(o_ref, st_ref, g_ref, b_ref, out_ref):
    cnt = float(B * N)
    mean = st_ref[0:1] / cnt
    var = st_ref[1:2] / cnt - mean * mean
    scale = g_ref[...] * lax.rsqrt(var + EPS)
    shift = b_ref[...] - mean * scale
    z = jnp.maximum(o_ref[0] * scale + shift, 0.0)
    out_ref[0] = z.T


def _finalize(out_pre, st, g, b):
    return pl.pallas_call(
        _fin_body,
        grid=(B, N // FN),
        in_specs=[
            pl.BlockSpec((1, FN, COUT), lambda bb, t: (bb, t, 0)),
            pl.BlockSpec((2, COUT), lambda bb, t: (0, 0)),
            pl.BlockSpec((1, COUT), lambda bb, t: (0, 0)),
            pl.BlockSpec((1, COUT), lambda bb, t: (0, 0)),
        ],
        out_specs=pl.BlockSpec((1, COUT, FN), lambda bb, t: (bb, 0, t)),
        out_shape=jax.ShapeDtypeStruct((B, COUT, N), jnp.float32),
    )(out_pre, st, g.reshape(1, COUT), b.reshape(1, COUT))


def kernel(x, idx, xyz_score, conv1_w, bn1_g, bn1_b, sW0, sg0, sb0,
           sW1, sg1, sb1, sW2, sg2, sb2, sW3, sb3, matrice2, bn2_g, bn2_b):
    hT = _compute_hT(x, conv1_w, bn1_g, bn1_b)
    table = hT.reshape(B * N, CIN)
    gidx = _prep_idx(idx.astype(jnp.int32)).reshape(R)
    hg = _gather_rows(table, gidx).reshape(B, K, N, CIN)

    xyz = xyz_score.reshape(B, 66, NK)
    y0, st0 = _layer0(xyz, sW0)
    y1, st1 = _mid_layer(y0, st0, sg0, sb0, sW1)
    y2, st2 = _mid_layer(y1, st1, sg1, sb1, sW2)
    score = _last_layer(y2, st2, sg2, sb2, sW3, sb3)
    sc4 = score.reshape(B, N, K, M)

    w2r = matrice2.reshape(CIN, M, COUT).transpose(1, 0, 2)
    out_pre, st3 = _aggregate(hg, sc4, w2r)
    return _finalize(out_pre, st3, bn2_g, bn2_b)

# --- scband reference (transcript-rebuilt; emitter-appended) ---
"""Pipeline reference for scband-paconv-88587995447584 (READ-ONLY COPY).

The authoritative reference and input builder live on the scoring server;
editing this copy changes nothing except your own understanding.
"""

import jax, jax.numpy as jnp
import numpy as np

B, N, K = 8, 1024, 16
CIN, COUT, M = 64, 64, 8
EPS = 1e-5


def _bn(x, g, b, axes):
    # training-mode batch norm over given axes, channel dim = 1
    mean = jnp.mean(x, axis=axes, keepdims=True)
    var = jnp.var(x, axis=axes, keepdims=True)
    shp = [1] * x.ndim
    shp[1] = x.shape[1]
    return (x - mean) / jnp.sqrt(var + EPS) * g.reshape(shp) + b.reshape(shp)


def setup_inputs(seed: int = 0):
    key = jax.random.key(seed)
    ks = jax.random.split(key, 10)
    x = jax.random.normal(ks[0], (B, CIN, N), dtype=jnp.float32)
    idx = jax.random.randint(ks[1], (B, N, K), 0, N)
    xyz_score = jax.random.normal(ks[2], (B, 66, N, K), dtype=jnp.float32)
    conv1_w = jax.random.normal(ks[3], (CIN, CIN), dtype=jnp.float32) * np.sqrt(2.0 / CIN)
    sW0 = jax.random.normal(ks[4], (64, 66), dtype=jnp.float32) * np.sqrt(2.0 / 66)
    sW1 = jax.random.normal(ks[5], (32, 64), dtype=jnp.float32) * np.sqrt(2.0 / 64)
    sW2 = jax.random.normal(ks[6], (16, 32), dtype=jnp.float32) * np.sqrt(2.0 / 32)
    sW3 = jax.random.normal(ks[7], (M, 16), dtype=jnp.float32) * np.sqrt(2.0 / 16)
    matrice2 = jax.random.normal(ks[8], (CIN, M * COUT), dtype=jnp.float32) * np.sqrt(2.0 / (CIN * COUT))
    return {
        'x': x, 'idx': idx, 'xyz_score': xyz_score,
        'conv1_w': conv1_w,
        'bn1_g': jnp.ones((CIN,), jnp.float32), 'bn1_b': jnp.zeros((CIN,), jnp.float32),
        'sW0': sW0, 'sg0': jnp.ones((64,), jnp.float32), 'sb0': jnp.zeros((64,), jnp.float32),
        'sW1': sW1, 'sg1': jnp.ones((32,), jnp.float32), 'sb1': jnp.zeros((32,), jnp.float32),
        'sW2': sW2, 'sg2': jnp.ones((16,), jnp.float32), 'sb2': jnp.zeros((16,), jnp.float32),
        'sW3': sW3, 'sb3': jnp.zeros((M,), jnp.float32),
        'matrice2': matrice2,
        'bn2_g': jnp.ones((COUT,), jnp.float32), 'bn2_b': jnp.zeros((COUT,), jnp.float32),
    }


def _forward(x, xyz_score, conv1_w, bn1_g, bn1_b, sW0, sg0, sb0, sW1, sg1, sb1, sW2, sg2, sb2, sW3, sb3, matrice2, bn2_g, bn2_b, idx):
    # conv1 (1x1 Conv1d, no bias) -> bn1 -> relu
    h = jnp.einsum('oc,bcn->bon', conv1_w, x)
    h = jax.nn.relu(_bn(h, bn1_g, bn1_b, (0, 2)))
    # feat_trans_pointnet: matmul(h^T, kernel).view(B, N, m, o)
    point = jnp.einsum('bcn,cd->bnd', h, matrice2).reshape(B, N, M, COUT)
    # ScoreNet (MLP of 1x1 Conv2d + BN + ReLU, last layer linear+bias, softmax over m)
    s = xyz_score
    s = jax.nn.relu(_bn(jnp.einsum('oc,bcnk->bonk', sW0, s), sg0, sb0, (0, 2, 3)))
    s = jax.nn.relu(_bn(jnp.einsum('oc,bcnk->bonk', sW1, s), sg1, sb1, (0, 2, 3)))
    s = jax.nn.relu(_bn(jnp.einsum('oc,bcnk->bonk', sW2, s), sg2, sb2, (0, 2, 3)))
    s = jnp.einsum('oc,bcnk->bonk', sW3, s) + sb3[None, :, None, None]
    s = jax.nn.softmax(s, axis=1)  # calc_scores='softmax', bias=0
    score = jnp.transpose(s, (0, 2, 3, 1))  # B,N,K,m
    # assemble_pointnet, aggregate='sum':
    # out[b,o,n] = sum_k sum_m score[b,n,k,m] * point[b, idx[b,n,k], m, o]
    gathered = point[jnp.arange(B)[:, None, None], idx]  # B,N,K,M,COUT
    out = jnp.einsum('bnkm,bnkmo->bno', score, gathered)
    out = jnp.transpose(out, (0, 2, 1))  # B,COUT,N
    out = jax.nn.relu(_bn(out, bn2_g, bn2_b, (0, 2)))
    return out


def reference(x, idx, xyz_score, conv1_w, bn1_g, bn1_b, sW0, sg0, sb0, sW1, sg1, sb1, sW2, sg2, sb2, sW3, sb3, matrice2, bn2_g, bn2_b):
    return _forward(x, xyz_score, conv1_w, bn1_g, bn1_b, sW0, sg0, sb0, sW1, sg1, sb1, sW2, sg2, sb2, sW3, sb3, matrice2, bn2_g, bn2_b, idx)

if __name__ == "__main__":
    import jax
    _d = setup_inputs()
    print(jax.jit(kernel)(*tuple(_d.values())))

</pallas_src>

<mosaic_0001>
#map = affine_map<(d0, d1) -> (0, 0)>
#map1 = affine_map<(d0, d1) -> (0)>
module attributes {stable_mosaic.version = 14 : i64} {
  func.func @_sc_gather_body(%arg0: i32, %arg1: i32, %arg2: memref<8192x64xf32, #tpu.memory_space<hbm>>, %arg3: memref<131072xi32, #tpu.memory_space<hbm>>, %arg4: memref<131072x64xf32, #tpu.memory_space<hbm>>, %arg5: memref<128xi32, #tpu.memory_space<vmem>>, %arg6: memref<128x64xf32, #tpu.memory_space<vmem>>, %arg7: memref<!tpu.dma_semaphore, #tpu.memory_space<semaphore_mem>>) attributes {dimension_semantics = [#tpu.dimension_semantics<core_parallel>, #tpu.dimension_semantics<subcore_parallel>], iteration_bounds = array<i64: 2, 16>, scalar_prefetch = 0 : i64, scratch_operands = 3 : i64, tpu.core_type = #tpu.core_type<sc_vector_subcore>, window_params = [{transform_indices = #map}, {transform_indices = #map1}, {transform_indices = #map}]} {
    %mul3A = arith.constant 2 : i32
    %mul3A_0 = arith.muli %arg1, %mul3A : i32
    %add3A = arith.addi %mul3A_0, %arg0 : i32
    %mul3A_1 = arith.constant 4096 : i32
    %mul3A_2 = arith.muli %add3A, %mul3A_1 : i32
    %scan3A = arith.constant 0 : i32
    %scan3A_3 = arith.constant 0 : i32
    %scan3A_4 = arith.constant 32 : i32
    %scan3A_5 = arith.addi %scan3A_3, %scan3A_4 : i32
    %scan3A_6 = arith.constant 1 : i32
    scf.for %scan3A_8 = %scan3A_3 to %scan3A_5 step %scan3A_6  : i32 {
      %mul3A_9 = arith.constant 128 : i32
      %mul3A_10 = arith.muli %scan3A_8, %mul3A_9 : i32
      %add3A_11 = arith.addi %mul3A_2, %mul3A_10 : i32
      "tpu.region"() ({
        %run_scoped3A = tpu.sem_alloc : memref<!tpu.dma_semaphore, #tpu.memory_space<semaphore_mem>>
        %dma_start3A_16 = tpu.memref_slice %arg3[%add3A_11] : memref<131072xi32, #tpu.memory_space<hbm>> -> memref<128xi32, #tpu.memory_space<hbm>>
        %dma_start3A_17 = tpu.memref_slice %arg3[%add3A_11] : memref<131072xi32, #tpu.memory_space<hbm>> -> memref<128xi32, #tpu.memory_space<hbm>>
        tpu.enqueue_dma source(%dma_start3A_17 : memref<128xi32, #tpu.memory_space<hbm>>) target(%arg5 : memref<128xi32, #tpu.memory_space<vmem>>) target_semaphore(%run_scoped3A : memref<!tpu.dma_semaphore, #tpu.memory_space<semaphore_mem>>)
        %dma_wait3A_18 = tpu.memref_slice %arg3[%add3A_11] : memref<131072xi32, #tpu.memory_space<hbm>> -> memref<128xi32, #tpu.memory_space<hbm>>
        %dma_wait3A_19 = tpu.memref_slice %arg3[%add3A_11] : memref<131072xi32, #tpu.memory_space<hbm>> -> memref<128xi32, #tpu.memory_space<hbm>>
        tpu.wait_dma2 semaphore(%run_scoped3A : memref<!tpu.dma_semaphore, #tpu.memory_space<semaphore_mem>>) src(%dma_wait3A_19 : memref<128xi32, #tpu.memory_space<hbm>>) dst(%arg5 : memref<128xi32, #tpu.memory_space<vmem>>)
        tpu.yield
      }) : () -> ()
      %dma_start3A = arith.constant 0 : i32
      %dma_start3A_12 = arith.constant 0 : i32
      %dma_start3A_13 = tpu.memref_slice %arg2[%dma_start3A, %dma_start3A_12] : memref<8192x64xf32, #tpu.memory_space<hbm>> -> memref<8192x64xf32, #tpu.memory_space<hbm>>
      tpu.enqueue_indirect_dma source(%dma_start3A_13 : memref<8192x64xf32, #tpu.memory_space<hbm>>) target(%arg6 : memref<128x64xf32, #tpu.memory_space<vmem>>) offsets(%arg5 : memref<128xi32, #tpu.memory_space<vmem>>) semaphore(%arg7 : memref<!tpu.dma_semaphore, #tpu.memory_space<semaphore_mem>>)
      %dma_wait3A = arith.constant 0 : i32
      %dma_wait3A_14 = arith.constant 0 : i32
      %dma_wait3A_15 = tpu.memref_slice %arg2[%dma_wait3A, %dma_wait3A_14] : memref<8192x64xf32, #tpu.memory_space<hbm>> -> memref<8192x64xf32, #tpu.memory_space<hbm>>
      tpu.wait_indirect_dma semaphore(%arg7 : memref<!tpu.dma_semaphore, #tpu.memory_space<semaphore_mem>>) src(%dma_wait3A_15 : memref<8192x64xf32, #tpu.memory_space<hbm>>) dst(%arg6 : memref<128x64xf32, #tpu.memory_space<vmem>>)
      "tpu.region"() ({
        %run_scoped3A = tpu.sem_alloc : memref<!tpu.dma_semaphore, #tpu.memory_space<semaphore_mem>>
        %dma_start3A_16 = arith.constant 0 : i32
        %dma_start3A_17 = tpu.memref_slice %arg4[%add3A_11, %dma_start3A_16] : memref<131072x64xf32, #tpu.memory_space<hbm>> -> memref<128x64xf32, #tpu.memory_space<hbm>>
        %dma_start3A_18 = arith.constant 0 : i32
        %dma_start3A_19 = tpu.memref_slice %arg4[%add3A_11, %dma_start3A_18] : memref<131072x64xf32, #tpu.memory_space<hbm>> -> memref<128x64xf32, #tpu.memory_space<hbm>>
        tpu.enqueue_dma source(%arg6 : memref<128x64xf32, #tpu.memory_space<vmem>>) target(%dma_start3A_19 : memref<128x64xf32, #tpu.memory_space<hbm>>) target_semaphore(%run_scoped3A : memref<!tpu.dma_semaphore, #tpu.memory_space<semaphore_mem>>)
        %dma_wait3A_20 = arith.constant 0 : i32
        %dma_wait3A_21 = tpu.memref_slice %arg4[%add3A_11, %dma_wait3A_20] : memref<131072x64xf32, #tpu.memory_space<hbm>> -> memref<128x64xf32, #tpu.memory_space<hbm>>
        %dma_wait3A_22 = arith.constant 0 : i32
        %dma_wait3A_23 = tpu.memref_slice %arg4[%add3A_11, %dma_wait3A_22] : memref<131072x64xf32, #tpu.memory_space<hbm>> -> memref<128x64xf32, #tpu.memory_space<hbm>>
        tpu.wait_dma2 semaphore(%run_scoped3A : memref<!tpu.dma_semaphore, #tpu.memory_space<semaphore_mem>>) src(%arg6 : memref<128x64xf32, #tpu.memory_space<vmem>>) dst(%dma_wait3A_23 : memref<128x64xf32, #tpu.memory_space<hbm>>)
        tpu.yield
      }) : () -> ()
    }
    %scan3A_7 = arith.constant 32 : i32
    return
  }
}

module attributes {stable_mosaic.version = 14 : i64} {
  func.func @_h_body(%arg0: memref<8x64x1024xf32, #tpu.memory_space<vmem>>, %arg1: memref<64x64xf32, #tpu.memory_space<vmem>>, %arg2: memref<64x1xf32, #tpu.memory_space<vmem>>, %arg3: memref<64x1xf32, #tpu.memory_space<vmem>>, %arg4: memref<8x1024x64xf32, #tpu.memory_space<vmem>>) attributes {dimension_semantics = [], scalar_prefetch = 0 : i64, scratch_operands = 0 : i64, tpu.core_type = #tpu.core_type<tc>} {
    %get3A = arith.constant 0 : index
    %get3A_0 = arith.constant 0 : index
    %get3A_1 = vector.load %arg1[%get3A, %get3A_0] : memref<64x64xf32, #tpu.memory_space<vmem>>, vector<64x64xf32>
    %broadcast_in_dim3A = arith.constant 0.000000e+00 : f32
    %broadcast_in_dim3A_2 = vector.broadcast %broadcast_in_dim3A : f32 to vector<64x1xf32>
    %broadcast_in_dim3A_3 = arith.constant 0.000000e+00 : f32
    %broadcast_in_dim3A_4 = vector.broadcast %broadcast_in_dim3A_3 : f32 to vector<64x1xf32>
    %get3A_5 = arith.constant 0 : index
    %get3A_6 = arith.constant 0 : index
    %get3A_7 = arith.constant 0 : index
    %get3A_8 = vector.load %arg0[%get3A_5, %get3A_6, %get3A_7] : memref<8x64x1024xf32, #tpu.memory_space<vmem>>, vector<1x64x1024xf32>
    %get3A_9 = vector.shape_cast %get3A_8 : vector<1x64x1024xf32> to vector<64x1024xf32>
    %dot_general3A = arith.constant dense<0.000000e+00> : vector<64x1024xf32>
    %dot_general3A_10 = tpu.matmul %get3A_1, %get3A_9, %dot_general3A {dimension_numbers = #tpu.dot_dimension_numbers<[1], [0], [0], [1], [0, 0, 1, 1], [], []>, transpose_lhs_hint = false} : vector<64x64xf32>, vector<64x1024xf32>, vector<64x1024xf32> -> vector<64x1024xf32>
    %reduce_sum3A = arith.constant dense<0.000000e+00> : vector<64xf32>
    %reduce_sum3A_11 = vector.multi_reduction <add>, %dot_general3A_10, %reduce_sum3A [1] : vector<64x1024xf32> to vector<64xf32>
    %broadcast_in_dim3A_12 = vector.shape_cast %reduce_sum3A_11 : vector<64xf32> to vector<64x1xf32>
    %add3A = arith.addf %broadcast_in_dim3A_2, %broadcast_in_dim3A_12 : vector<64x1xf32>
    %mul3A = arith.mulf %dot_general3A_10, %dot_general3A_10 : vector<64x1024xf32>
    %reduce_sum3A_13 = arith.constant dense<0.000000e+00> : vector<64xf32>
    %reduce_sum3A_14 = vector.multi_reduction <add>, %mul3A, %reduce_sum3A_13 [1] : vector<64x1024xf32> to vector<64xf32>
    %broadcast_in_dim3A_15 = vector.shape_cast %reduce_sum3A_14 : vector<64xf32> to vector<64x1xf32>
    %add3A_16 = arith.addf %broadcast_in_dim3A_4, %broadcast_in_dim3A_15 : vector<64x1xf32>
    %get3A_17 = arith.constant 1 : index
    %get3A_18 = arith.constant 0 : index
    %get3A_19 = arith.constant 0 : index
    %get3A_20 = vector.load %arg0[%get3A_17, %get3A_18, %get3A_19] : memref<8x64x1024xf32, #tpu.memory_space<vmem>>, vector<1x64x1024xf32>
    %get3A_21 = vector.shape_cast %get3A_20 : vector<1x64x1024xf32> to vector<64x1024xf32>
    %dot_general3A_22 = arith.constant dense<0.000000e+00> : vector<64x1024xf32>
    %dot_general3A_23 = tpu.matmul %get3A_1, %get3A_21, %dot_general3A_22 {dimension_numbers = #tpu.dot_dimension_numbers<[1], [0], [0], [1], [0, 0, 1, 1], [], []>, transpose_lhs_hint = false} : vector<64x64xf32>, vector<64x1024xf32>, vector<64x1024xf32> -> vector<64x1024xf32>
    %reduce_sum3A_24 = arith.constant dense<0.000000e+00> : vector<64xf32>
    %reduce_sum3A_25 = vector.multi_reduction <add>, %dot_general3A_23, %reduce_sum3A_24 [1] : vector<64x1024xf32> to vector<64xf32>
    %broadcast_in_dim3A_26 = vector.shape_cast %reduce_sum3A_25 : vector<64xf32> to vector<64x1xf32>
    %add3A_27 = arith.addf %add3A, %broadcast_in_dim3A_26 : vector<64x1xf32>
    %mul3A_28 = arith.mulf %dot_general3A_23, %dot_general3A_23 : vector<64x1024xf32>
    %reduce_sum3A_29 = arith.constant dense<0.000000e+00> : vector<64xf32>
    %reduce_sum3A_30 = vector.multi_reduction <add>, %mul3A_28, %reduce_sum3A_29 [1] : vector<64x1024xf32> to vector<64xf32>
    %broadcast_in_dim3A_31 = vector.shape_cast %reduce_sum3A_30 : vector<64xf32> to vector<64x1xf32>
    %add3A_32 = arith.addf %add3A_16, %broadcast_in_dim3A_31 : vector<64x1xf32>
    %get3A_33 = arith.constant 2 : index
    %get3A_34 = arith.constant 0 : index
    %get3A_35 = arith.constant 0 : index
    %get3A_36 = vector.load %arg0[%get3A_33, %get3A_34, %get3A_35] : memref<8x64x1024xf32, #tpu.memory_space<vmem>>, vector<1x64x1024xf32>
    %get3A_37 = vector.shape_cast %get3A_36 : vector<1x64x1024xf32> to vector<64x1024xf32>
    %dot_general3A_38 = arith.constant dense<0.000000e+00> : vector<64x1024xf32>
    %dot_general3A_39 = tpu.matmul %get3A_1, %get3A_37, %dot_general3A_38 {dimension_numbers = #tpu.dot_dimension_numbers<[1], [0], [0], [1], [0, 0, 1, 1], [], []>, transpose_lhs_hint = false} : vector<64x64xf32>, vector<64x1024xf32>, vector<64x1024xf32> -> vector<64x1024xf32>
    %reduce_sum3A_40 = arith.constant dense<0.000000e+00> : vector<64xf32>
    %reduce_sum3A_41 = vector.multi_reduction <add>, %dot_general3A_39, %reduce_sum3A_40 [1] : vector<64x1024xf32> to vector<64xf32>
    %broadcast_in_dim3A_42 = vector.shape_cast %reduce_sum3A_41 : vector<64xf32> to vector<64x1xf32>
    %add3A_43 = arith.addf %add3A_27, %broadcast_in_dim3A_42 : vector<64x1xf32>
    %mul3A_44 = arith.mulf %dot_general3A_39, %dot_general3A_39 : vector<64x1024xf32>
    %reduce_sum3A_45 = arith.constant dense<0.000000e+00> : vector<64xf32>
    %reduce_sum3A_46 = vector.multi_reduction <add>, %mul3A_44, %reduce_sum3A_45 [1] : vector<64x1024xf32> to vector<64xf32>
    %broadcast_in_dim3A_47 = vector.shape_cast %reduce_sum3A_46 : vector<64xf32> to vector<64x1xf32>
    %add3A_48 = arith.addf %add3A_32, %broadcast_in_dim3A_47 : vector<64x1xf32>
    %get3A_49 = arith.constant 3 : index
    %get3A_50 = arith.constant 0 : index
    %get3A_51 = arith.constant 0 : index
    %get3A_52 = vector.load %arg0[%get3A_49, %get3A_50, %get3A_51] : memref<8x64x1024xf32, #tpu.memory_space<vmem>>, vector<1x64x1024xf32>
    %get3A_53 = vector.shape_cast %get3A_52 : vector<1x64x1024xf32> to vector<64x1024xf32>
    %dot_general3A_54 = arith.constant dense<0.000000e+00> : vector<64x1024xf32>
    %dot_general3A_55 = tpu.matmul %get3A_1, %get3A_53, %dot_general3A_54 {dimension_numbers = #tpu.dot_dimension_numbers<[1], [0], [0], [1], [0, 0, 1, 1], [], []>, transpose_lhs_hint = false} : vector<64x64xf32>, vector<64x1024xf32>, vector<64x1024xf32> -> vector<64x1024xf32>
    %reduce_sum3A_56 = arith.constant dense<0.000000e+00> : vector<64xf32>
    %reduce_sum3A_57 = vector.multi_reduction <add>, %dot_general3A_55, %reduce_sum3A_56 [1] : vector<64x1024xf32> to vector<64xf32>
    %broadcast_in_dim3A_58 = vector.shape_cast %reduce_sum3A_57 : vector<64xf32> to vector<64x1xf32>
    %add3A_59 = arith.addf %add3A_43, %broadcast_in_dim3A_58 : vector<64x1xf32>
    %mul3A_60 = arith.mulf %dot_general3A_55, %dot_general3A_55 : vector<64x1024xf32>
    %reduce_sum3A_61 = arith.constant dense<0.000000e+00> : vector<64xf32>
    %reduce_sum3A_62 = vector.multi_reduction <add>, %mul3A_60, %reduce_sum3A_61 [1] : vector<64x1024xf32> to vector<64xf32>
    %broadcast_in_dim3A_63 = vector.shape_cast %reduce_sum3A_62 : vector<64xf32> to vector<64x1xf32>
    %add3A_64 = arith.addf %add3A_48, %broadcast_in_dim3A_63 : vector<64x1xf32>
    %get3A_65 = arith.constant 4 : index
    %get3A_66 = arith.constant 0 : index
    %get3A_67 = arith.constant 0 : index
    %get3A_68 = vector.load %arg0[%get3A_65, %get3A_66, %get3A_67] : memref<8x64x1024xf32, #tpu.memory_space<vmem>>, vector<1x64x1024xf32>
    %get3A_69 = vector.shape_cast %get3A_68 : vector<1x64x1024xf32> to vector<64x1024xf32>
    %dot_general3A_70 = arith.constant dense<0.000000e+00> : vector<64x1024xf32>
    %dot_general3A_71 = tpu.matmul %get3A_1, %get3A_69, %dot_general3A_70 {dimension_numbers = #tpu.dot_dimension_numbers<[1], [0], [0], [1], [0, 0, 1, 1], [], []>, transpose_lhs_hint = false} : vector<64x64xf32>, vector<64x1024xf32>, vector<64x1024xf32> -> vector<64x1024xf32>
    %reduce_sum3A_72 = arith.constant dense<0.000000e+00> : vector<64xf32>
    %reduce_sum3A_73 = vector.multi_reduction <add>, %dot_general3A_71, %reduce_sum3A_72 [1] : vector<64x1024xf32> to vector<64xf32>
    %broadcast_in_dim3A_74 = vector.shape_cast %reduce_sum3A_73 : vector<64xf32> to vector<64x1xf32>
    %add3A_75 = arith.addf %add3A_59, %broadcast_in_dim3A_74 : vector<64x1xf32>
    %mul3A_76 = arith.mulf %dot_general3A_71, %dot_general3A_71 : vector<64x1024xf32>
    %reduce_sum3A_77 = arith.constant dense<0.000000e+00> : vector<64xf32>
    %reduce_sum3A_78 = vector.multi_reduction <add>, %mul3A_76, %reduce_sum3A_77 [1] : vector<64x1024xf32> to vector<64xf32>
    %broadcast_in_dim3A_79 = vector.shape_cast %reduce_sum3A_78 : vector<64xf32> to vector<64x1xf32>
    %add3A_80 = arith.addf %add3A_64, %broadcast_in_dim3A_79 : vector<64x1xf32>
    %get3A_81 = arith.constant 5 : index
    %get3A_82 = arith.constant 0 : index
    %get3A_83 = arith.constant 0 : index
    %get3A_84 = vector.load %arg0[%get3A_81, %get3A_82, %get3A_83] : memref<8x64x1024xf32, #tpu.memory_space<vmem>>, vector<1x64x1024xf32>
    %get3A_85 = vector.shape_cast %get3A_84 : vector<1x64x1024xf32> to vector<64x1024xf32>
    %dot_general3A_86 = arith.constant dense<0.000000e+00> : vector<64x1024xf32>
    %dot_general3A_87 = tpu.matmul %get3A_1, %get3A_85, %dot_general3A_86 {dimension_numbers = #tpu.dot_dimension_numbers<[1], [0], [0], [1], [0, 0, 1, 1], [], []>, transpose_lhs_hint = false} : vector<64x64xf32>, vector<64x1024xf32>, vector<64x1024xf32> -> vector<64x1024xf32>
    %reduce_sum3A_88 = arith.constant dense<0.000000e+00> : vector<64xf32>
    %reduce_sum3A_89 = vector.multi_reduction <add>, %dot_general3A_87, %reduce_sum3A_88 [1] : vector<64x1024xf32> to vector<64xf32>
    %broadcast_in_dim3A_90 = vector.shape_cast %reduce_sum3A_89 : vector<64xf32> to vector<64x1xf32>
    %add3A_91 = arith.addf %add3A_75, %broadcast_in_dim3A_90 : vector<64x1xf32>
    %mul3A_92 = arith.mulf %dot_general3A_87, %dot_general3A_87 : vector<64x1024xf32>
    %reduce_sum3A_93 = arith.constant dense<0.000000e+00> : vector<64xf32>
    %reduce_sum3A_94 = vector.multi_reduction <add>, %mul3A_92, %reduce_sum3A_93 [1] : vector<64x1024xf32> to vector<64xf32>
    %broadcast_in_dim3A_95 = vector.shape_cast %reduce_sum3A_94 : vector<64xf32> to vector<64x1xf32>
    %add3A_96 = arith.addf %add3A_80, %broadcast_in_dim3A_95 : vector<64x1xf32>
    %get3A_97 = arith.constant 6 : index
    %get3A_98 = arith.constant 0 : index
    %get3A_99 = arith.constant 0 : index
    %get3A_100 = vector.load %arg0[%get3A_97, %get3A_98, %get3A_99] : memref<8x64x1024xf32, #tpu.memory_space<vmem>>, vector<1x64x1024xf32>
    %get3A_101 = vector.shape_cast %get3A_100 : vector<1x64x1024xf32> to vector<64x1024xf32>
    %dot_general3A_102 = arith.constant dense<0.000000e+00> : vector<64x1024xf32>
    %dot_general3A_103 = tpu.matmul %get3A_1, %get3A_101, %dot_general3A_102 {dimension_numbers = #tpu.dot_dimension_numbers<[1], [0], [0], [1], [0, 0, 1, 1], [], []>, transpose_lhs_hint = false} : vector<64x64xf32>, vector<64x1024xf32>, vector<64x1024xf32> -> vector<64x1024xf32>
    %reduce_sum3A_104 = arith.constant dense<0.000000e+00> : vector<64xf32>
    %reduce_sum3A_105 = vector.multi_reduction <add>, %dot_general3A_103, %reduce_sum3A_104 [1] : vector<64x1024xf32> to vector<64xf32>
    %broadcast_in_dim3A_106 = vector.shape_cast %reduce_sum3A_105 : vector<64xf32> to vector<64x1xf32>
    %add3A_107 = arith.addf %add3A_91, %broadcast_in_dim3A_106 : vector<64x1xf32>
    %mul3A_108 = arith.mulf %dot_general3A_103, %dot_general3A_103 : vector<64x1024xf32>
    %reduce_sum3A_109 = arith.constant dense<0.000000e+00> : vector<64xf32>
    %reduce_sum3A_110 = vector.multi_reduction <add>, %mul3A_108, %reduce_sum3A_109 [1] : vector<64x1024xf32> to vector<64xf32>
    %broadcast_in_dim3A_111 = vector.shape_cast %reduce_sum3A_110 : vector<64xf32> to vector<64x1xf32>
    %add3A_112 = arith.addf %add3A_96, %broadcast_in_dim3A_111 : vector<64x1xf32>
    %get3A_113 = arith.constant 7 : index
    %get3A_114 = arith.constant 0 : index
    %get3A_115 = arith.constant 0 : index
    %get3A_116 = vector.load %arg0[%get3A_113, %get3A_114, %get3A_115] : memref<8x64x1024xf32, #tpu.memory_space<vmem>>, vector<1x64x1024xf32>
    %get3A_117 = vector.shape_cast %get3A_116 : vector<1x64x1024xf32> to vector<64x1024xf32>
    %dot_general3A_118 = arith.constant dense<0.000000e+00> : vector<64x1024xf32>
    %dot_general3A_119 = tpu.matmul %get3A_1, %get3A_117, %dot_general3A_118 {dimension_numbers = #tpu.dot_dimension_numbers<[1], [0], [0], [1], [0, 0, 1, 1], [], []>, transpose_lhs_hint = false} : vector<64x64xf32>, vector<64x1024xf32>, vector<64x1024xf32> -> vector<64x1024xf32>
    %reduce_sum3A_120 = arith.constant dense<0.000000e+00> : vector<64xf32>
    %reduce_sum3A_121 = vector.multi_reduction <add>, %dot_general3A_119, %reduce_sum3A_120 [1] : vector<64x1024xf32> to vector<64xf32>
    %broadcast_in_dim3A_122 = vector.shape_cast %reduce_sum3A_121 : vector<64xf32> to vector<64x1xf32>
    %add3A_123 = arith.addf %add3A_107, %broadcast_in_dim3A_122 : vector<64x1xf32>
    %mul3A_124 = arith.mulf %dot_general3A_119, %dot_general3A_119 : vector<64x1024xf32>
    %reduce_sum3A_125 = arith.constant dense<0.000000e+00> : vector<64xf32>
    %reduce_sum3A_126 = vector.multi_reduction <add>, %mul3A_124, %reduce_sum3A_125 [1] : vector<64x1024xf32> to vector<64xf32>
    %broadcast_in_dim3A_127 = vector.shape_cast %reduce_sum3A_126 : vector<64xf32> to vector<64x1xf32>
    %add3A_128 = arith.addf %add3A_112, %broadcast_in_dim3A_127 : vector<64x1xf32>
    %div3A = arith.constant 8.192000e+03 : f32
    %div3A_129 = vector.broadcast %div3A : f32 to vector<64x1xf32>
    %div3A_130 = arith.divf %add3A_123, %div3A_129 : vector<64x1xf32>
    %div3A_131 = arith.constant 8.192000e+03 : f32
    %div3A_132 = vector.broadcast %div3A_131 : f32 to vector<64x1xf32>
    %div3A_133 = arith.divf %add3A_128, %div3A_132 : vector<64x1xf32>
    %mul3A_134 = arith.mulf %div3A_130, %div3A_130 : vector<64x1xf32>
    %sub3A = arith.subf %div3A_133, %mul3A_134 : vector<64x1xf32>
    %get3A_135 = arith.constant 0 : index
    %get3A_136 = arith.constant 0 : index
    %get3A_137 = vector.load %arg2[%get3A_135, %get3A_136] : memref<64x1xf32, #tpu.memory_space<vmem>>, vector<64x1xf32>
    %add3A_138 = arith.constant 9.99999974E-6 : f32
    %add3A_139 = vector.broadcast %add3A_138 : f32 to vector<64x1xf32>
    %add3A_140 = arith.addf %sub3A, %add3A_139 : vector<64x1xf32>
    %rsqrt3A = math.rsqrt %add3A_140 : vector<64x1xf32>
    %mul3A_141 = arith.mulf %get3A_137, %rsqrt3A : vector<64x1xf32>
    %get3A_142 = arith.constant 0 : index
    %get3A_143 = arith.constant 0 : index
    %get3A_144 = vector.load %arg3[%get3A_142, %get3A_143] : memref<64x1xf32, #tpu.memory_space<vmem>>, vector<64x1xf32>
    %mul3A_145 = arith.mulf %div3A_130, %mul3A_141 : vector<64x1xf32>
    %sub3A_146 = arith.subf %get3A_144, %mul3A_145 : vector<64x1xf32>
    %mul3A_147 = vector.broadcast %mul3A_141 : vector<64x1xf32> to vector<64x1024xf32>
    %mul3A_148 = arith.mulf %dot_general3A_10, %mul3A_147 : vector<64x1024xf32>
    %add3A_149 = vector.broadcast %sub3A_146 : vector<64x1xf32> to vector<64x1024xf32>
    %add3A_150 = arith.addf %mul3A_148, %add3A_149 : vector<64x1024xf32>
    %max3A = arith.constant 0.000000e+00 : f32
    %max3A_151 = vector.broadcast %max3A : f32 to vector<64x1024xf32>
    %max3A_152 = arith.maximumf %add3A_150, %max3A_151 : vector<64x1024xf32>
    %transpose3A = tpu.transpose %max3A_152, [1, 0] : vector<64x1024xf32> -> vector<1024x64xf32>
    %swap3A = arith.constant 0 : index
    %swap3A_153 = arith.constant 0 : index
    %swap3A_154 = arith.constant 0 : index
    %swap3A_155 = vector.load %arg4[%swap3A, %swap3A_153, %swap3A_154] : memref<8x1024x64xf32, #tpu.memory_space<vmem>>, vector<1x1024x64xf32>
    %swap3A_156 = vector.shape_cast %swap3A_155 : vector<1x1024x64xf32> to vector<1024x64xf32>
    %swap3A_157 = vector.shape_cast %transpose3A : vector<1024x64xf32> to vector<1x1024x64xf32>
    tpu.vector_store %arg4[%swap3A, %swap3A_153, %swap3A_154], %swap3A_157 {strides = array<i32>} : memref<8x1024x64xf32, #tpu.memory_space<vmem>>, vector<1x1024x64xf32>,
    %mul3A_158 = vector.broadcast %mul3A_141 : vector<64x1xf32> to vector<64x1024xf32>
    %mul3A_159 = arith.mulf %dot_general3A_23, %mul3A_158 : vector<64x1024xf32>
    %add3A_160 = vector.broadcast %sub3A_146 : vector<64x1xf32> to vector<64x1024xf32>
    %add3A_161 = arith.addf %mul3A_159, %add3A_160 : vector<64x1024xf32>
    %max3A_162 = arith.constant 0.000000e+00 : f32
    %max3A_163 = vector.broadcast %max3A_162 : f32 to vector<64x1024xf32>
    %max3A_164 = arith.maximumf %add3A_161, %max3A_163 : vector<64x1024xf32>
    %transpose3A_165 = tpu.transpose %max3A_164, [1, 0] : vector<64x1024xf32> -> vector<1024x64xf32>
    %swap3A_166 = arith.constant 1 : index
    %swap3A_167 = arith.constant 0 : index
    %swap3A_168 = arith.constant 0 : index
    %swap3A_169 = vector.load %arg4[%swap3A_166, %swap3A_167, %swap3A_168] : memref<8x1024x64xf32, #tpu.memory_space<vmem>>, vector<1x1024x64xf32>
    %swap3A_170 = vector.shape_cast %swap3A_169 : vector<1x1024x64xf32> to vector<1024x64xf32>
    %swap3A_171 = vector.shape_cast %transpose3A_165 : vector<1024x64xf32> to vector<1x1024x64xf32>
    tpu.vector_store %arg4[%swap3A_166, %swap3A_167, %swap3A_168], %swap3A_171 {strides = array<i32>} : memref<8x1024x64xf32, #tpu.memory_space<vmem>>, vector<1x1024x64xf32>,
    %mul3A_172 = vector.broadcast %mul3A_141 : vector<64x1xf32> to vector<64x1024xf32>
    %mul3A_173 = arith.mulf %dot_general3A_39, %mul3A_172 : vector<64x1024xf32>
    %add3A_174 = vector.broadcast %sub3A_146 : vector<64x1xf32> to vector<64x1024xf32>
    %add3A_175 = arith.addf %mul3A_173, %add3A_174 : vector<64x1024xf32>
    %max3A_176 = arith.constant 0.000000e+00 : f32
    %max3A_177 = vector.broadcast %max3A_176 : f32 to vector<64x1024xf32>
    %max3A_178 = arith.maximumf %add3A_175, %max3A_177 : vector<64x1024xf32>
    %transpose3A_179 = tpu.transpose %max3A_178, [1, 0] : vector<64x1024xf32> -> vector<1024x64xf32>
    %swap3A_180 = arith.constant 2 : index
    %swap3A_181 = arith.constant 0 : index
    %swap3A_182 = arith.constant 0 : index
    %swap3A_183 = vector.load %arg4[%swap3A_180, %swap3A_181, %swap3A_182] : memref<8x1024x64xf32, #tpu.memory_space<vmem>>, vector<1x1024x64xf32>
    %swap3A_184 = vector.shape_cast %swap3A_183 : vector<1x1024x64xf32> to vector<1024x64xf32>
    %swap3A_185 = vector.shape_cast %transpose3A_179 : vector<1024x64xf32> to vector<1x1024x64xf32>
    tpu.vector_store %arg4[%swap3A_180, %swap3A_181, %swap3A_182], %swap3A_185 {strides = array<i32>} : memref<8x1024x64xf32, #tpu.memory_space<vmem>>, vector<1x1024x64xf32>,
    %mul3A_186 = vector.broadcast %mul3A_141 : vector<64x1xf32> to vector<64x1024xf32>
    %mul3A_187 = arith.mulf %dot_general3A_55, %mul3A_186 : vector<64x1024xf32>
    %add3A_188 = vector.broadcast %sub3A_146 : vector<64x1xf32> to vector<64x1024xf32>
    %add3A_189 = arith.addf %mul3A_187, %add3A_188 : vector<64x1024xf32>
    %max3A_190 = arith.constant 0.000000e+00 : f32
    %max3A_191 = vector.broadcast %max3A_190 : f32 to vector<64x1024xf32>
    %max3A_192 = arith.maximumf %add3A_189, %max3A_191 : vector<64x1024xf32>
    %transpose3A_193 = tpu.transpose %max3A_192, [1, 0] : vector<64x1024xf32> -> vector<1024x64xf32>
    %swap3A_194 = arith.constant 3 : index
    %swap3A_195 = arith.constant 0 : index
    %swap3A_196 = arith.constant 0 : index
    %swap3A_197 = vector.load %arg4[%swap3A_194, %swap3A_195, %swap3A_196] : memref<8x1024x64xf32, #tpu.memory_space<vmem>>, vector<1x1024x64xf32>
    %swap3A_198 = vector.shape_cast %swap3A_197 : vector<1x1024x64xf32> to vector<1024x64xf32>
    %swap3A_199 = vector.shape_cast %transpose3A_193 : vector<1024x64xf32> to vector<1x1024x64xf32>
    tpu.vector_store %arg4[%swap3A_194, %swap3A_195, %swap3A_196], %swap3A_199 {strides = array<i32>} : memref<8x1024x64xf32, #tpu.memory_space<vmem>>, vector<1x1024x64xf32>,
    %mul3A_200 = vector.broadcast %mul3A_141 : vector<64x1xf32> to vector<64x1024xf32>
    %mul3A_201 = arith.mulf %dot_general3A_71, %mul3A_200 : vector<64x1024xf32>
    %add3A_202 = vector.broadcast %sub3A_146 : vector<64x1xf32> to vector<64x1024xf32>
    %add3A_203 = arith.addf %mul3A_201, %add3A_202 : vector<64x1024xf32>
    %max3A_204 = arith.constant 0.000000e+00 : f32
    %max3A_205 = vector.broadcast %max3A_204 : f32 to vector<64x1024xf32>
    %max3A_206 = arith.maximumf %add3A_203, %max3A_205 : vector<64x1024xf32>
    %transpose3A_207 = tpu.transpose %max3A_206, [1, 0] : vector<64x1024xf32> -> vector<1024x64xf32>
    %swap3A_208 = arith.constant 4 : index
    %swap3A_209 = arith.constant 0 : index
    %swap3A_210 = arith.constant 0 : index
    %swap3A_211 = vector.load %arg4[%swap3A_208, %swap3A_209, %swap3A_210] : memref<8x1024x64xf32, #tpu.memory_space<vmem>>, vector<1x1024x64xf32>
    %swap3A_212 = vector.shape_cast %swap3A_211 : vector<1x1024x64xf32> to vector<1024x64xf32>
    %swap3A_213 = vector.shape_cast %transpose3A_207 : vector<1024x64xf32> to vector<1x1024x64xf32>
    tpu.vector_store %arg4[%swap3A_208, %swap3A_209, %swap3A_210], %swap3A_213 {strides = array<i32>} : memref<8x1024x64xf32, #tpu.memory_space<vmem>>, vector<1x1024x64xf32>,
    %mul3A_214 = vector.broadcast %mul3A_141 : vector<64x1xf32> to vector<64x1024xf32>
    %mul3A_215 = arith.mulf %dot_general3A_87, %mul3A_214 : vector<64x1024xf32>
    %add3A_216 = vector.broadcast %sub3A_146 : vector<64x1xf32> to vector<64x1024xf32>
    %add3A_217 = arith.addf %mul3A_215, %add3A_216 : vector<64x1024xf32>
    %max3A_218 = arith.constant 0.000000e+00 : f32
    %max3A_219 = vector.broadcast %max3A_218 : f32 to vector<64x1024xf32>
    %max3A_220 = arith.maximumf %add3A_217, %max3A_219 : vector<64x1024xf32>
    %transpose3A_221 = tpu.transpose %max3A_220, [1, 0] : vector<64x1024xf32> -> vector<1024x64xf32>
    %swap3A_222 = arith.constant 5 : index
    %swap3A_223 = arith.constant 0 : index
    %swap3A_224 = arith.constant 0 : index
    %swap3A_225 = vector.load %arg4[%swap3A_222, %swap3A_223, %swap3A_224] : memref<8x1024x64xf32, #tpu.memory_space<vmem>>, vector<1x1024x64xf32>
    %swap3A_226 = vector.shape_cast %swap3A_225 : vector<1x1024x64xf32> to vector<1024x64xf32>
    %swap3A_227 = vector.shape_cast %transpose3A_221 : vector<1024x64xf32> to vector<1x1024x64xf32>
    tpu.vector_store %arg4[%swap3A_222, %swap3A_223, %swap3A_224], %swap3A_227 {strides = array<i32>} : memref<8x1024x64xf32, #tpu.memory_space<vmem>>, vector<1x1024x64xf32>,
    %mul3A_228 = vector.broadcast %mul3A_141 : vector<64x1xf32> to vector<64x1024xf32>
    %mul3A_229 = arith.mulf %dot_general3A_103, %mul3A_228 : vector<64x1024xf32>
    %add3A_230 = vector.broadcast %sub3A_146 : vector<64x1xf32> to vector<64x1024xf32>
    %add3A_231 = arith.addf %mul3A_229, %add3A_230 : vector<64x1024xf32>
    %max3A_232 = arith.constant 0.000000e+00 : f32
    %max3A_233 = vector.broadcast %max3A_232 : f32 to vector<64x1024xf32>
    %max3A_234 = arith.maximumf %add3A_231, %max3A_233 : vector<64x1024xf32>
    %transpose3A_235 = tpu.transpose %max3A_234, [1, 0] : vector<64x1024xf32> -> vector<1024x64xf32>
    %swap3A_236 = arith.constant 6 : index
    %swap3A_237 = arith.constant 0 : index
    %swap3A_238 = arith.constant 0 : index
    %swap3A_239 = vector.load %arg4[%swap3A_236, %swap3A_237, %swap3A_238] : memref<8x1024x64xf32, #tpu.memory_space<vmem>>, vector<1x1024x64xf32>
    %swap3A_240 = vector.shape_cast %swap3A_239 : vector<1x1024x64xf32> to vector<1024x64xf32>
    %swap3A_241 = vector.shape_cast %transpose3A_235 : vector<1024x64xf32> to vector<1x1024x64xf32>
    tpu.vector_store %arg4[%swap3A_236, %swap3A_237, %swap3A_238], %swap3A_241 {strides = array<i32>} : memref<8x1024x64xf32, #tpu.memory_space<vmem>>, vector<1x1024x64xf32>,
    %mul3A_242 = vector.broadcast %mul3A_141 : vector<64x1xf32> to vector<64x1024xf32>
    %mul3A_243 = arith.mulf %dot_general3A_119, %mul3A_242 : vector<64x1024xf32>
    %add3A_244 = vector.broadcast %sub3A_146 : vector<64x1xf32> to vector<64x1024xf32>
    %add3A_245 = arith.addf %mul3A_243, %add3A_244 : vector<64x1024xf32>
    %max3A_246 = arith.constant 0.000000e+00 : f32
    %max3A_247 = vector.broadcast %max3A_246 : f32 to vector<64x1024xf32>
    %max3A_248 = arith.maximumf %add3A_245, %max3A_247 : vector<64x1024xf32>
    %transpose3A_249 = tpu.transpose %max3A_248, [1, 0] : vector<64x1024xf32> -> vector<1024x64xf32>
    %swap3A_250 = arith.constant 7 : index
    %swap3A_251 = arith.constant 0 : index
    %swap3A_252 = arith.constant 0 : index
    %swap3A_253 = vector.load %arg4[%swap3A_250, %swap3A_251, %swap3A_252] : memref<8x1024x64xf32, #tpu.memory_space<vmem>>, vector<1x1024x64xf32>
    %swap3A_254 = vector.shape_cast %swap3A_253 : vector<1x1024x64xf32> to vector<1024x64xf32>
    %swap3A_255 = vector.shape_cast %transpose3A_249 : vector<1024x64xf32> to vector<1x1024x64xf32>
    tpu.vector_store %arg4[%swap3A_250, %swap3A_251, %swap3A_252], %swap3A_255 {strides = array<i32>} : memref<8x1024x64xf32, #tpu.memory_space<vmem>>, vector<1x1024x64xf32>,
    return
  }
}

module attributes {stable_mosaic.version = 14 : i64} {
  func.func @_idx_body(%arg0: i32, %arg1: memref<1x1024x16xi32, #tpu.memory_space<vmem>>, %arg2: memref<1x16x1024xi32, #tpu.memory_space<vmem>>) attributes {dimension_semantics = [#tpu.dimension_semantics<arbitrary>], iteration_bounds = array<i64: 8>, scalar_prefetch = 0 : i64, scratch_operands = 0 : i64, tpu.core_type = #tpu.core_type<tc>, window_params = [{transform_indices = @transform_0, window_bounds = array<i64: 1, 1024, 16>}, {transform_indices = @transform_1, window_bounds = array<i64: 1, 16, 1024>}]} {
    %get3A = arith.constant 0 : index
    %get3A_0 = arith.constant 0 : index
    %get3A_1 = arith.constant 0 : index
    %get3A_2 = vector.load %arg1[%get3A, %get3A_0, %get3A_1] : memref<1x1024x16xi32, #tpu.memory_space<vmem>>, vector<1x1024x16xi32>
    %get3A_3 = vector.shape_cast %get3A_2 : vector<1x1024x16xi32> to vector<1024x16xi32>
    %transpose3A = tpu.transpose %get3A_3, [1, 0] : vector<1024x16xi32> -> vector<16x1024xi32>
    %mul3A = arith.constant 1024 : i32
    %mul3A_4 = arith.muli %arg0, %mul3A : i32
    %add3A = vector.broadcast %mul3A_4 : i32 to vector<16x1024xi32>
    %add3A_5 = arith.addi %transpose3A, %add3A : vector<16x1024xi32>
    %swap3A = arith.constant 0 : index
    %swap3A_6 = arith.constant 0 : index
    %swap3A_7 = arith.constant 0 : index
    %swap3A_8 = vector.load %arg2[%swap3A, %swap3A_6, %swap3A_7] : memref<1x16x1024xi32, #tpu.memory_space<vmem>>, vector<1x16x1024xi32>
    %swap3A_9 = vector.shape_cast %swap3A_8 : vector<1x16x1024xi32> to vector<16x1024xi32>
    %swap3A_10 = vector.shape_cast %add3A_5 : vector<16x1024xi32> to vector<1x16x1024xi32>
    tpu.vector_store %arg2[%swap3A, %swap3A_6, %swap3A_7], %swap3A_10 {strides = array<i32>} : memref<1x16x1024xi32, #tpu.memory_space<vmem>>, vector<1x16x1024xi32>,
    return
  }
  func.func @transform_0(%arg0: i32) -> (i32, i32, i32) {
    %c0_i32 = arith.constant 0 : i32
    %c0_i32_0 = arith.constant 0 : i32
    %c0_i32_1 = arith.constant 0 : i32
    return %arg0, %c0_i32, %c0_i32_0 : i32, i32, i32
  }
  func.func @transform_1(%arg0: i32) -> (i32, i32, i32) {
    %c0_i32 = arith.constant 0 : i32
    %c0_i32_0 = arith.constant 0 : i32
    %c0_i32_1 = arith.constant 0 : i32
    return %arg0, %c0_i32, %c0_i32_0 : i32, i32, i32
  }
}

module attributes {stable_mosaic.version = 14 : i64} {
  func.func @_layer0_body(%arg0: i32, %arg1: i32, %arg2: memref<1x66x4096xf32, #tpu.memory_space<vmem>>, %arg3: memref<64x66xf32, #tpu.memory_space<vmem>>, %arg4: memref<1x64x4096xf32, #tpu.memory_space<vmem>>, %arg5: memref<64x2xf32, #tpu.memory_space<vmem>>, %arg6: memref<64x2xf32, #tpu.memory_space<vmem>>) attributes {dimension_semantics = [#tpu.dimension_semantics<arbitrary>, #tpu.dimension_semantics<arbitrary>], iteration_bounds = array<i64: 8, 4>, scalar_prefetch = 0 : i64, scratch_operands = 1 : i64, tpu.core_type = #tpu.core_type<tc>, window_params = [{transform_indices = @transform_0, window_bounds = array<i64: 1, 66, 4096>}, {pipeline_mode = #tpu.pipeline_mode<synchronous>, transform_indices = @transform_1, window_bounds = array<i64: 64, 66>}, {transform_indices = @transform_2, window_bounds = array<i64: 1, 64, 4096>}, {pipeline_mode = #tpu.pipeline_mode<synchronous>, transform_indices = @transform_3, window_bounds = array<i64: 64, 2>}]} {
    %mul3A = arith.constant 4 : i32
    %mul3A_0 = arith.muli %arg0, %mul3A : i32
    %add3A = arith.addi %mul3A_0, %arg1 : i32
    %get3A = arith.constant 0 : index
    %get3A_1 = arith.constant 0 : index
    %get3A_2 = vector.load %arg3[%get3A, %get3A_1] : memref<64x66xf32, #tpu.memory_space<vmem>>, vector<64x66xf32>
    %get3A_3 = arith.constant 0 : index
    %get3A_4 = arith.constant 0 : index
    %get3A_5 = arith.constant 0 : index
    %get3A_6 = vector.load %arg2[%get3A_3, %get3A_4, %get3A_5] : memref<1x66x4096xf32, #tpu.memory_space<vmem>>, vector<1x66x4096xf32>
    %get3A_7 = vector.shape_cast %get3A_6 : vector<1x66x4096xf32> to vector<66x4096xf32>
    %dot_general3A = arith.constant dense<0.000000e+00> : vector<64x4096xf32>
    %dot_general3A_8 = tpu.matmul %get3A_2, %get3A_7, %dot_general3A {dimension_numbers = #tpu.dot_dimension_numbers<[1], [0], [0], [1], [0, 0, 1, 1], [], []>, transpose_lhs_hint = false} : vector<64x66xf32>, vector<66x4096xf32>, vector<64x4096xf32> -> vector<64x4096xf32>
    %swap3A = arith.constant 0 : index
    %swap3A_9 = arith.constant 0 : index
    %swap3A_10 = arith.constant 0 : index
    %swap3A_11 = vector.load %arg4[%swap3A, %swap3A_9, %swap3A_10] : memref<1x64x4096xf32, #tpu.memory_space<vmem>>, vector<1x64x4096xf32>
    %swap3A_12 = vector.shape_cast %swap3A_11 : vector<1x64x4096xf32> to vector<64x4096xf32>
    %swap3A_13 = vector.shape_cast %dot_general3A_8 : vector<64x4096xf32> to vector<1x64x4096xf32>
    tpu.vector_store %arg4[%swap3A, %swap3A_9, %swap3A_10], %swap3A_13 {strides = array<i32>} : memref<1x64x4096xf32, #tpu.memory_space<vmem>>, vector<1x64x4096xf32>,
    %eq3A = arith.constant 0 : i32
    %eq3A_14 = arith.cmpi eq, %add3A, %eq3A : i32
    %convert_element_type3A = arith.extui %eq3A_14 : i1 to i32
    %cond3A = arith.constant 0 : i32
    %cond3A_15 = arith.cmpi ne, %convert_element_type3A, %cond3A : i32
    scf.if %cond3A_15 {
      %broadcast_in_dim3A_33 = arith.constant 0.000000e+00 : f32
      %broadcast_in_dim3A_34 = vector.broadcast %broadcast_in_dim3A_33 : f32 to vector<64x2xf32>
      %swap3A_35 = arith.constant 0 : index
      %swap3A_36 = arith.constant 0 : index
      %swap3A_37 = vector.load %arg6[%swap3A_35, %swap3A_36] : memref<64x2xf32, #tpu.memory_space<vmem>>, vector<64x2xf32>
      tpu.vector_store %arg6[%swap3A_35, %swap3A_36], %broadcast_in_dim3A_34 {strides = array<i32>} : memref<64x2xf32, #tpu.memory_space<vmem>>, vector<64x2xf32>,
    } else {
    }
    %get3A_16 = arith.constant 0 : index
    %get3A_17 = arith.constant 0 : index
    %get3A_18 = vector.load %arg6[%get3A_16, %get3A_17] : memref<64x2xf32, #tpu.memory_space<vmem>>, vector<64x2xf32>
    %reduce_sum3A = arith.constant dense<0.000000e+00> : vector<64xf32>
    %reduce_sum3A_19 = vector.multi_reduction <add>, %dot_general3A_8, %reduce_sum3A [1] : vector<64x4096xf32> to vector<64xf32>
    %broadcast_in_dim3A = vector.shape_cast %reduce_sum3A_19 : vector<64xf32> to vector<64x1xf32>
    %mul3A_20 = arith.mulf %dot_general3A_8, %dot_general3A_8 : vector<64x4096xf32>
    %reduce_sum3A_21 = arith.constant dense<0.000000e+00> : vector<64xf32>
    %reduce_sum3A_22 = vector.multi_reduction <add>, %mul3A_20, %reduce_sum3A_21 [1] : vector<64x4096xf32> to vector<64xf32>
    %broadcast_in_dim3A_23 = vector.shape_cast %reduce_sum3A_22 : vector<64xf32> to vector<64x1xf32>
    %concatenate3A = tpu.concatenate %broadcast_in_dim3A, %broadcast_in_dim3A_23 in 1 : vector<64x1xf32>, vector<64x1xf32> -> vector<64x2xf32>
    %add3A_24 = arith.addf %get3A_18, %concatenate3A : vector<64x2xf32>
    %swap3A_25 = arith.constant 0 : index
    %swap3A_26 = arith.constant 0 : index
    %swap3A_27 = vector.load %arg6[%swap3A_25, %swap3A_26] : memref<64x2xf32, #tpu.memory_space<vmem>>, vector<64x2xf32>
    tpu.vector_store %arg6[%swap3A_25, %swap3A_26], %add3A_24 {strides = array<i32>} : memref<64x2xf32, #tpu.memory_space<vmem>>, vector<64x2xf32>,
    %eq3A_28 = arith.constant 31 : i32
    %eq3A_29 = arith.cmpi eq, %add3A, %eq3A_28 : i32
    %convert_element_type3A_30 = arith.extui %eq3A_29 : i1 to i32
    %cond3A_31 = arith.constant 0 : i32
    %cond3A_32 = arith.cmpi ne, %convert_element_type3A_30, %cond3A_31 : i32
    scf.if %cond3A_32 {
      %get3A_33 = arith.constant 0 : index
      %get3A_34 = arith.constant 0 : index
      %get3A_35 = vector.load %arg6[%get3A_33, %get3A_34] : memref<64x2xf32, #tpu.memory_space<vmem>>, vector<64x2xf32>
      %swap3A_36 = arith.constant 0 : index
      %swap3A_37 = arith.constant 0 : index
      %swap3A_38 = vector.load %arg5[%swap3A_36, %swap3A_37] : memref<64x2xf32, #tpu.memory_space<vmem>>, vector<64x2xf32>
      tpu.vector_store %arg5[%swap3A_36, %swap3A_37], %get3A_35 {strides = array<i32>} : memref<64x2xf32, #tpu.memory_space<vmem>>, vector<64x2xf32>,
    } else {
    }
    return
  }
  func.func @transform_0(%arg0: i32, %arg1: i32) -> (i32, i32, i32) {
    %c0_i32 = arith.constant 0 : i32
    %c0_i32_0 = arith.constant 0 : i32
    return %arg0, %c0_i32, %arg1 : i32, i32, i32
  }
  func.func @transform_1(%arg0: i32, %arg1: i32) -> (i32, i32) {
    %c0_i32 = arith.constant 0 : i32
    %c0_i32_0 = arith.constant 0 : i32
    %c0_i32_1 = arith.constant 0 : i32
    return %c0_i32, %c0_i32_0 : i32, i32
  }
  func.func @transform_2(%arg0: i32, %arg1: i32) -> (i32, i32, i32) {
    %c0_i32 = arith.constant 0 : i32
    %c0_i32_0 = arith.constant 0 : i32
    return %arg0, %c0_i32, %arg1 : i32, i32, i32
  }
  func.func @transform_3(%arg0: i32, %arg1: i32) -> (i32, i32) {
    %c0_i32 = arith.constant 0 : i32
    %c0_i32_0 = arith.constant 0 : i32
    %c0_i32_1 = arith.constant 0 : i32
    return %c0_i32, %c0_i32_0 : i32, i32
  }
}

module attributes {stable_mosaic.version = 14 : i64} {
  func.func @_mid_body(%arg0: i32, %arg1: i32, %arg2: memref<1x32x4096xf32, #tpu.memory_space<vmem>>, %arg3: memref<32x2xf32, #tpu.memory_space<vmem>>, %arg4: memref<32x1xf32, #tpu.memory_space<vmem>>, %arg5: memref<32x1xf32, #tpu.memory_space<vmem>>, %arg6: memref<16x32xf32, #tpu.memory_space<vmem>>, %arg7: memref<1x16x4096xf32, #tpu.memory_space<vmem>>, %arg8: memref<16x2xf32, #tpu.memory_space<vmem>>, %arg9: memref<16x2xf32, #tpu.memory_space<vmem>>) attributes {dimension_semantics = [#tpu.dimension_semantics<arbitrary>, #tpu.dimension_semantics<arbitrary>], iteration_bounds = array<i64: 8, 4>, scalar_prefetch = 0 : i64, scratch_operands = 1 : i64, tpu.core_type = #tpu.core_type<tc>, window_params = [{transform_indices = @transform_0, window_bounds = array<i64: 1, 32, 4096>}, {pipeline_mode = #tpu.pipeline_mode<synchronous>, transform_indices = @transform_1, window_bounds = array<i64: 32, 2>}, {pipeline_mode = #tpu.pipeline_mode<synchronous>, transform_indices = @transform_2, window_bounds = array<i64: 32, 1>}, {pipeline_mode = #tpu.pipeline_mode<synchronous>, transform_indices = @transform_3, window_bounds = array<i64: 32, 1>}, {pipeline_mode = #tpu.pipeline_mode<synchronous>, transform_indices = @transform_4, window_bounds = array<i64: 16, 32>}, {transform_indices = @transform_5, window_bounds = array<i64: 1, 16, 4096>}, {pipeline_mode = #tpu.pipeline_mode<synchronous>, transform_indices = @transform_6, window_bounds = array<i64: 16, 2>}]} {
    %mul3A = arith.constant 4 : i32
    %mul3A_0 = arith.muli %arg0, %mul3A : i32
    %add3A = arith.constant 0 : i32
    %add3A_1 = arith.addi %mul3A_0, %add3A : i32
    %add3A_2 = arith.addi %add3A_1, %arg1 : i32
    %get3A = arith.constant 0 : index
    %get3A_3 = arith.constant 0 : index
    %get3A_4 = vector.load %arg3[%get3A, %get3A_3] : memref<32x2xf32, #tpu.memory_space<vmem>>, vector<32x2xf32>
    %slice3A = vector.extract_strided_slice %get3A_4 {offsets = [0, 0], sizes = [32, 1], strides = [1, 1]} : vector<32x2xf32> to vector<32x1xf32>
    %div3A = arith.constant 1.310720e+05 : f32
    %div3A_5 = vector.broadcast %div3A : f32 to vector<32x1xf32>
    %div3A_6 = arith.divf %slice3A, %div3A_5 : vector<32x1xf32>
    %slice3A_7 = vector.extract_strided_slice %get3A_4 {offsets = [0, 1], sizes = [32, 1], strides = [1, 1]} : vector<32x2xf32> to vector<32x1xf32>
    %div3A_8 = arith.constant 1.310720e+05 : f32
    %div3A_9 = vector.broadcast %div3A_8 : f32 to vector<32x1xf32>
    %div3A_10 = arith.divf %slice3A_7, %div3A_9 : vector<32x1xf32>
    %mul3A_11 = arith.mulf %div3A_6, %div3A_6 : vector<32x1xf32>
    %sub3A = arith.subf %div3A_10, %mul3A_11 : vector<32x1xf32>
    %get3A_12 = arith.constant 0 : index
    %get3A_13 = arith.constant 0 : index
    %get3A_14 = vector.load %arg4[%get3A_12, %get3A_13] : memref<32x1xf32, #tpu.memory_space<vmem>>, vector<32x1xf32>
    %add3A_15 = arith.constant 9.99999974E-6 : f32
    %add3A_16 = vector.broadcast %add3A_15 : f32 to vector<32x1xf32>
    %add3A_17 = arith.addf %sub3A, %add3A_16 : vector<32x1xf32>
    %rsqrt3A = math.rsqrt %add3A_17 : vector<32x1xf32>
    %mul3A_18 = arith.mulf %get3A_14, %rsqrt3A : vector<32x1xf32>
    %get3A_19 = arith.constant 0 : index
    %get3A_20 = arith.constant 0 : index
    %get3A_21 = vector.load %arg5[%get3A_19, %get3A_20] : memref<32x1xf32, #tpu.memory_space<vmem>>, vector<32x1xf32>
    %mul3A_22 = arith.mulf %div3A_6, %mul3A_18 : vector<32x1xf32>
    %sub3A_23 = arith.subf %get3A_21, %mul3A_22 : vector<32x1xf32>
    %get3A_24 = arith.constant 0 : index
    %get3A_25 = arith.constant 0 : index
    %get3A_26 = arith.constant 0 : index
    %get3A_27 = vector.load %arg2[%get3A_24, %get3A_25, %get3A_26] : memref<1x32x4096xf32, #tpu.memory_space<vmem>>, vector<1x32x4096xf32>
    %get3A_28 = vector.shape_cast %get3A_27 : vector<1x32x4096xf32> to vector<32x4096xf32>
    %mul3A_29 = vector.broadcast %mul3A_18 : vector<32x1xf32> to vector<32x4096xf32>
    %mul3A_30 = arith.mulf %get3A_28, %mul3A_29 : vector<32x4096xf32>
    %add3A_31 = vector.broadcast %sub3A_23 : vector<32x1xf32> to vector<32x4096xf32>
    %add3A_32 = arith.addf %mul3A_30, %add3A_31 : vector<32x4096xf32>
    %max3A = arith.constant 0.000000e+00 : f32
    %max3A_33 = vector.broadcast %max3A : f32 to vector<32x4096xf32>
    %max3A_34 = arith.maximumf %add3A_32, %max3A_33 : vector<32x4096xf32>
    %get3A_35 = arith.constant 0 : index
    %get3A_36 = arith.constant 0 : index
    %get3A_37 = vector.load %arg6[%get3A_35, %get3A_36] : memref<16x32xf32, #tpu.memory_space<vmem>>, vector<16x32xf32>
    %dot_general3A = arith.constant dense<0.000000e+00> : vector<16x4096xf32>
    %dot_general3A_38 = tpu.matmul %get3A_37, %max3A_34, %dot_general3A {dimension_numbers = #tpu.dot_dimension_numbers<[1], [0], [0], [1], [0, 0, 1, 1], [], []>, transpose_lhs_hint = false} : vector<16x32xf32>, vector<32x4096xf32>, vector<16x4096xf32> -> vector<16x4096xf32>
    %swap3A = arith.constant 0 : index
    %swap3A_39 = arith.constant 0 : index
    %swap3A_40 = arith.constant 0 : index
    %swap3A_41 = vector.load %arg7[%swap3A, %swap3A_39, %swap3A_40] : memref<1x16x4096xf32, #tpu.memory_space<vmem>>, vector<1x16x4096xf32>
    %swap3A_42 = vector.shape_cast %swap3A_41 : vector<1x16x4096xf32> to vector<16x4096xf32>
    %swap3A_43 = vector.shape_cast %dot_general3A_38 : vector<16x4096xf32> to vector<1x16x4096xf32>
    tpu.vector_store %arg7[%swap3A, %swap3A_39, %swap3A_40], %swap3A_43 {strides = array<i32>} : memref<1x16x4096xf32, #tpu.memory_space<vmem>>, vector<1x16x4096xf32>,
    %eq3A = arith.constant 0 : i32
    %eq3A_44 = arith.cmpi eq, %add3A_2, %eq3A : i32
    %convert_element_type3A = arith.extui %eq3A_44 : i1 to i32
    %cond3A = arith.constant 0 : i32
    %cond3A_45 = arith.cmpi ne, %convert_element_type3A, %cond3A : i32
    scf.if %cond3A_45 {
      %broadcast_in_dim3A_63 = arith.constant 0.000000e+00 : f32
      %broadcast_in_dim3A_64 = vector.broadcast %broadcast_in_dim3A_63 : f32 to vector<16x2xf32>
      %swap3A_65 = arith.constant 0 : index
      %swap3A_66 = arith.constant 0 : index
      %swap3A_67 = vector.load %arg9[%swap3A_65, %swap3A_66] : memref<16x2xf32, #tpu.memory_space<vmem>>, vector<16x2xf32>
      tpu.vector_store %arg9[%swap3A_65, %swap3A_66], %broadcast_in_dim3A_64 {strides = array<i32>} : memref<16x2xf32, #tpu.memory_space<vmem>>, vector<16x2xf32>,
    } else {
    }
    %get3A_46 = arith.constant 0 : index
    %get3A_47 = arith.constant 0 : index
    %get3A_48 = vector.load %arg9[%get3A_46, %get3A_47] : memref<16x2xf32, #tpu.memory_space<vmem>>, vector<16x2xf32>
    %reduce_sum3A = arith.constant dense<0.000000e+00> : vector<16xf32>
    %reduce_sum3A_49 = vector.multi_reduction <add>, %dot_general3A_38, %reduce_sum3A [1] : vector<16x4096xf32> to vector<16xf32>
    %broadcast_in_dim3A = vector.shape_cast %reduce_sum3A_49 : vector<16xf32> to vector<16x1xf32>
    %mul3A_50 = arith.mulf %dot_general3A_38, %dot_general3A_38 : vector<16x4096xf32>
    %reduce_sum3A_51 = arith.constant dense<0.000000e+00> : vector<16xf32>
    %reduce_sum3A_52 = vector.multi_reduction <add>, %mul3A_50, %reduce_sum3A_51 [1] : vector<16x4096xf32> to vector<16xf32>
    %broadcast_in_dim3A_53 = vector.shape_cast %reduce_sum3A_52 : vector<16xf32> to vector<16x1xf32>
    %concatenate3A = tpu.concatenate %broadcast_in_dim3A, %broadcast_in_dim3A_53 in 1 : vector<16x1xf32>, vector<16x1xf32> -> vector<16x2xf32>
    %add3A_54 = arith.addf %get3A_48, %concatenate3A : vector<16x2xf32>
    %swap3A_55 = arith.constant 0 : index
    %swap3A_56 = arith.constant 0 : index
    %swap3A_57 = vector.load %arg9[%swap3A_55, %swap3A_56] : memref<16x2xf32, #tpu.memory_space<vmem>>, vector<16x2xf32>
    tpu.vector_store %arg9[%swap3A_55, %swap3A_56], %add3A_54 {strides = array<i32>} : memref<16x2xf32, #tpu.memory_space<vmem>>, vector<16x2xf32>,
    %eq3A_58 = arith.constant 31 : i32
    %eq3A_59 = arith.cmpi eq, %add3A_2, %eq3A_58 : i32
    %convert_element_type3A_60 = arith.extui %eq3A_59 : i1 to i32
    %cond3A_61 = arith.constant 0 : i32
    %cond3A_62 = arith.cmpi ne, %convert_element_type3A_60, %cond3A_61 : i32
    scf.if %cond3A_62 {
      %get3A_63 = arith.constant 0 : index
      %get3A_64 = arith.constant 0 : index
      %get3A_65 = vector.load %arg9[%get3A_63, %get3A_64] : memref<16x2xf32, #tpu.memory_space<vmem>>, vector<16x2xf32>
      %swap3A_66 = arith.constant 0 : index
      %swap3A_67 = arith.constant 0 : index
      %swap3A_68 = vector.load %arg8[%swap3A_66, %swap3A_67] : memref<16x2xf32, #tpu.memory_space<vmem>>, vector<16x2xf32>
      tpu.vector_store %arg8[%swap3A_66, %swap3A_67], %get3A_65 {strides = array<i32>} : memref<16x2xf32, #tpu.memory_space<vmem>>, vector<16x2xf32>,
    } else {
    }
    return
  }
  func.func @transform_0(%arg0: i32, %arg1: i32) -> (i32, i32, i32) {
    %c0_i32 = arith.constant 0 : i32
    %c0_i32_0 = arith.constant 0 : i32
    return %arg0, %c0_i32, %arg1 : i32, i32, i32
  }
  func.func @transform_1(%arg0: i32, %arg1: i32) -> (i32, i32) {
    %c0_i32 = arith.constant 0 : i32
    %c0_i32_0 = arith.constant 0 : i32
    %c0_i32_1 = arith.constant 0 : i32
    return %c0_i32, %c0_i32_0 : i32, i32
  }
  func.func @transform_2(%arg0: i32, %arg1: i32) -> (i32, i32) {
    %c0_i32 = arith.constant 0 : i32
    %c0_i32_0 = arith.constant 0 : i32
    %c0_i32_1 = arith.constant 0 : i32
    return %c0_i32, %c0_i32_0 : i32, i32
  }
  func.func @transform_3(%arg0: i32, %arg1: i32) -> (i32, i32) {
    %c0_i32 = arith.constant 0 : i32
    %c0_i32_0 = arith.constant 0 : i32
    %c0_i32_1 = arith.constant 0 : i32
    return %c0_i32, %c0_i32_0 : i32, i32
  }
  func.func @transform_4(%arg0: i32, %arg1: i32) -> (i32, i32) {
    %c0_i32 = arith.constant 0 : i32
    %c0_i32_0 = arith.constant 0 : i32
    %c0_i32_1 = arith.constant 0 : i32
    return %c0_i32, %c0_i32_0 : i32, i32
  }
  func.func @transform_5(%arg0: i32, %arg1: i32) -> (i32, i32, i32) {
    %c0_i32 = arith.constant 0 : i32
    %c0_i32_0 = arith.constant 0 : i32
    return %arg0, %c0_i32, %arg1 : i32, i32, i32
  }
  func.func @transform_6(%arg0: i32, %arg1: i32) -> (i32, i32) {
    %c0_i32 = arith.constant 0 : i32
    %c0_i32_0 = arith.constant 0 : i32
    %c0_i32_1 = arith.constant 0 : i32
    return %c0_i32, %c0_i32_0 : i32, i32
  }
}

module attributes {stable_mosaic.version = 14 : i64} {
  func.func @_mid_body(%arg0: i32, %arg1: i32, %arg2: memref<1x64x4096xf32, #tpu.memory_space<vmem>>, %arg3: memref<64x2xf32, #tpu.memory_space<vmem>>, %arg4: memref<64x1xf32, #tpu.memory_space<vmem>>, %arg5: memref<64x1xf32, #tpu.memory_space<vmem>>, %arg6: memref<32x64xf32, #tpu.memory_space<vmem>>, %arg7: memref<1x32x4096xf32, #tpu.memory_space<vmem>>, %arg8: memref<32x2xf32, #tpu.memory_space<vmem>>, %arg9: memref<32x2xf32, #tpu.memory_space<vmem>>) attributes {dimension_semantics = [#tpu.dimension_semantics<arbitrary>, #tpu.dimension_semantics<arbitrary>], iteration_bounds = array<i64: 8, 4>, scalar_prefetch = 0 : i64, scratch_operands = 1 : i64, tpu.core_type = #tpu.core_type<tc>, window_params = [{transform_indices = @transform_0, window_bounds = array<i64: 1, 64, 4096>}, {pipeline_mode = #tpu.pipeline_mode<synchronous>, transform_indices = @transform_1, window_bounds = array<i64: 64, 2>}, {pipeline_mode = #tpu.pipeline_mode<synchronous>, transform_indices = @transform_2, window_bounds = array<i64: 64, 1>}, {pipeline_mode = #tpu.pipeline_mode<synchronous>, transform_indices = @transform_3, window_bounds = array<i64: 64, 1>}, {pipeline_mode = #tpu.pipeline_mode<synchronous>, transform_indices = @transform_4, window_bounds = array<i64: 32, 64>}, {transform_indices = @transform_5, window_bounds = array<i64: 1, 32, 4096>}, {pipeline_mode = #tpu.pipeline_mode<synchronous>, transform_indices = @transform_6, window_bounds = array<i64: 32, 2>}]} {
    %mul3A = arith.constant 4 : i32
    %mul3A_0 = arith.muli %arg0, %mul3A : i32
    %add3A = arith.constant 0 : i32
    %add3A_1 = arith.addi %mul3A_0, %add3A : i32
    %add3A_2 = arith.addi %add3A_1, %arg1 : i32
    %get3A = arith.constant 0 : index
    %get3A_3 = arith.constant 0 : index
    %get3A_4 = vector.load %arg3[%get3A, %get3A_3] : memref<64x2xf32, #tpu.memory_space<vmem>>, vector<64x2xf32>
    %slice3A = vector.extract_strided_slice %get3A_4 {offsets = [0, 0], sizes = [64, 1], strides = [1, 1]} : vector<64x2xf32> to vector<64x1xf32>
    %div3A = arith.constant 1.310720e+05 : f32
    %div3A_5 = vector.broadcast %div3A : f32 to vector<64x1xf32>
    %div3A_6 = arith.divf %slice3A, %div3A_5 : vector<64x1xf32>
    %slice3A_7 = vector.extract_strided_slice %get3A_4 {offsets = [0, 1], sizes = [64, 1], strides = [1, 1]} : vector<64x2xf32> to vector<64x1xf32>
    %div3A_8 = arith.constant 1.310720e+05 : f32
    %div3A_9 = vector.broadcast %div3A_8 : f32 to vector<64x1xf32>
    %div3A_10 = arith.divf %slice3A_7, %div3A_9 : vector<64x1xf32>
    %mul3A_11 = arith.mulf %div3A_6, %div3A_6 : vector<64x1xf32>
    %sub3A = arith.subf %div3A_10, %mul3A_11 : vector<64x1xf32>
    %get3A_12 = arith.constant 0 : index
    %get3A_13 = arith.constant 0 : index
    %get3A_14 = vector.load %arg4[%get3A_12, %get3A_13] : memref<64x1xf32, #tpu.memory_space<vmem>>, vector<64x1xf32>
    %add3A_15 = arith.constant 9.99999974E-6 : f32
    %add3A_16 = vector.broadcast %add3A_15 : f32 to vector<64x1xf32>
    %add3A_17 = arith.addf %sub3A, %add3A_16 : vector<64x1xf32>
    %rsqrt3A = math.rsqrt %add3A_17 : vector<64x1xf32>
    %mul3A_18 = arith.mulf %get3A_14, %rsqrt3A : vector<64x1xf32>
    %get3A_19 = arith.constant 0 : index
    %get3A_20 = arith.constant 0 : index
    %get3A_21 = vector.load %arg5[%get3A_19, %get3A_20] : memref<64x1xf32, #tpu.memory_space<vmem>>, vector<64x1xf32>
    %mul3A_22 = arith.mulf %div3A_6, %mul3A_18 : vector<64x1xf32>
    %sub3A_23 = arith.subf %get3A_21, %mul3A_22 : vector<64x1xf32>
    %get3A_24 = arith.constant 0 : index
    %get3A_25 = arith.constant 0 : index
    %get3A_26 = arith.constant 0 : index
    %get3A_27 = vector.load %arg2[%get3A_24, %get3A_25, %get3A_26] : memref<1x64x4096xf32, #tpu.memory_space<vmem>>, vector<1x64x4096xf32>
    %get3A_28 = vector.shape_cast %get3A_27 : vector<1x64x4096xf32> to vector<64x4096xf32>
    %mul3A_29 = vector.broadcast %mul3A_18 : vector<64x1xf32> to vector<64x4096xf32>
    %mul3A_30 = arith.mulf %get3A_28, %mul3A_29 : vector<64x4096xf32>
    %add3A_31 = vector.broadcast %sub3A_23 : vector<64x1xf32> to vector<64x4096xf32>
    %add3A_32 = arith.addf %mul3A_30, %add3A_31 : vector<64x4096xf32>
    %max3A = arith.constant 0.000000e+00 : f32
    %max3A_33 = vector.broadcast %max3A : f32 to vector<64x4096xf32>
    %max3A_34 = arith.maximumf %add3A_32, %max3A_33 : vector<64x4096xf32>
    %get3A_35 = arith.constant 0 : index
    %get3A_36 = arith.constant 0 : index
    %get3A_37 = vector.load %arg6[%get3A_35, %get3A_36] : memref<32x64xf32, #tpu.memory_space<vmem>>, vector<32x64xf32>
    %dot_general3A = arith.constant dense<0.000000e+00> : vector<32x4096xf32>
    %dot_general3A_38 = tpu.matmul %get3A_37, %max3A_34, %dot_general3A {dimension_numbers = #tpu.dot_dimension_numbers<[1], [0], [0], [1], [0, 0, 1, 1], [], []>, transpose_lhs_hint = false} : vector<32x64xf32>, vector<64x4096xf32>, vector<32x4096xf32> -> vector<32x4096xf32>
    %swap3A = arith.constant 0 : index
    %swap3A_39 = arith.constant 0 : index
    %swap3A_40 = arith.constant 0 : index
    %swap3A_41 = vector.load %arg7[%swap3A, %swap3A_39, %swap3A_40] : memref<1x32x4096xf32, #tpu.memory_space<vmem>>, vector<1x32x4096xf32>
    %swap3A_42 = vector.shape_cast %swap3A_41 : vector<1x32x4096xf32> to vector<32x4096xf32>
    %swap3A_43 = vector.shape_cast %dot_general3A_38 : vector<32x4096xf32> to vector<1x32x4096xf32>
    tpu.vector_store %arg7[%swap3A, %swap3A_39, %swap3A_40], %swap3A_43 {strides = array<i32>} : memref<1x32x4096xf32, #tpu.memory_space<vmem>>, vector<1x32x4096xf32>,
    %eq3A = arith.constant 0 : i32
    %eq3A_44 = arith.cmpi eq, %add3A_2, %eq3A : i32
    %convert_element_type3A = arith.extui %eq3A_44 : i1 to i32
    %cond3A = arith.constant 0 : i32
    %cond3A_45 = arith.cmpi ne, %convert_element_type3A, %cond3A : i32
    scf.if %cond3A_45 {
      %broadcast_in_dim3A_63 = arith.constant 0.000000e+00 : f32
      %broadcast_in_dim3A_64 = vector.broadcast %broadcast_in_dim3A_63 : f32 to vector<32x2xf32>
      %swap3A_65 = arith.constant 0 : index
      %swap3A_66 = arith.constant 0 : index
      %swap3A_67 = vector.load %arg9[%swap3A_65, %swap3A_66] : memref<32x2xf32, #tpu.memory_space<vmem>>, vector<32x2xf32>
      tpu.vector_store %arg9[%swap3A_65, %swap3A_66], %broadcast_in_dim3A_64 {strides = array<i32>} : memref<32x2xf32, #tpu.memory_space<vmem>>, vector<32x2xf32>,
    } else {
    }
    %get3A_46 = arith.constant 0 : index
    %get3A_47 = arith.constant 0 : index
    %get3A_48 = vector.load %arg9[%get3A_46, %get3A_47] : memref<32x2xf32, #tpu.memory_space<vmem>>, vector<32x2xf32>
    %reduce_sum3A = arith.constant dense<0.000000e+00> : vector<32xf32>
    %reduce_sum3A_49 = vector.multi_reduction <add>, %dot_general3A_38, %reduce_sum3A [1] : vector<32x4096xf32> to vector<32xf32>
    %broadcast_in_dim3A = vector.shape_cast %reduce_sum3A_49 : vector<32xf32> to vector<32x1xf32>
    %mul3A_50 = arith.mulf %dot_general3A_38, %dot_general3A_38 : vector<32x4096xf32>
    %reduce_sum3A_51 = arith.constant dense<0.000000e+00> : vector<32xf32>
    %reduce_sum3A_52 = vector.multi_reduction <add>, %mul3A_50, %reduce_sum3A_51 [1] : vector<32x4096xf32> to vector<32xf32>
    %broadcast_in_dim3A_53 = vector.shape_cast %reduce_sum3A_52 : vector<32xf32> to vector<32x1xf32>
    %concatenate3A = tpu.concatenate %broadcast_in_dim3A, %broadcast_in_dim3A_53 in 1 : vector<32x1xf32>, vector<32x1xf32> -> vector<32x2xf32>
    %add3A_54 = arith.addf %get3A_48, %concatenate3A : vector<32x2xf32>
    %swap3A_55 = arith.constant 0 : index
    %swap3A_56 = arith.constant 0 : index
    %swap3A_57 = vector.load %arg9[%swap3A_55, %swap3A_56] : memref<32x2xf32, #tpu.memory_space<vmem>>, vector<32x2xf32>
    tpu.vector_store %arg9[%swap3A_55, %swap3A_56], %add3A_54 {strides = array<i32>} : memref<32x2xf32, #tpu.memory_space<vmem>>, vector<32x2xf32>,
    %eq3A_58 = arith.constant 31 : i32
    %eq3A_59 = arith.cmpi eq, %add3A_2, %eq3A_58 : i32
    %convert_element_type3A_60 = arith.extui %eq3A_59 : i1 to i32
    %cond3A_61 = arith.constant 0 : i32
    %cond3A_62 = arith.cmpi ne, %convert_element_type3A_60, %cond3A_61 : i32
    scf.if %cond3A_62 {
      %get3A_63 = arith.constant 0 : index
      %get3A_64 = arith.constant 0 : index
      %get3A_65 = vector.load %arg9[%get3A_63, %get3A_64] : memref<32x2xf32, #tpu.memory_space<vmem>>, vector<32x2xf32>
      %swap3A_66 = arith.constant 0 : index
      %swap3A_67 = arith.constant 0 : index
      %swap3A_68 = vector.load %arg8[%swap3A_66, %swap3A_67] : memref<32x2xf32, #tpu.memory_space<vmem>>, vector<32x2xf32>
      tpu.vector_store %arg8[%swap3A_66, %swap3A_67], %get3A_65 {strides = array<i32>} : memref<32x2xf32, #tpu.memory_space<vmem>>, vector<32x2xf32>,
    } else {
    }
    return
  }
  func.func @transform_0(%arg0: i32, %arg1: i32) -> (i32, i32, i32) {
    %c0_i32 = arith.constant 0 : i32
    %c0_i32_0 = arith.constant 0 : i32
    return %arg0, %c0_i32, %arg1 : i32, i32, i32
  }
  func.func @transform_1(%arg0: i32, %arg1: i32) -> (i32, i32) {
    %c0_i32 = arith.constant 0 : i32
    %c0_i32_0 = arith.constant 0 : i32
    %c0_i32_1 = arith.constant 0 : i32
    return %c0_i32, %c0_i32_0 : i32, i32
  }
  func.func @transform_2(%arg0: i32, %arg1: i32) -> (i32, i32) {
    %c0_i32 = arith.constant 0 : i32
    %c0_i32_0 = arith.constant 0 : i32
    %c0_i32_1 = arith.constant 0 : i32
    return %c0_i32, %c0_i32_0 : i32, i32
  }
  func.func @transform_3(%arg0: i32, %arg1: i32) -> (i32, i32) {
    %c0_i32 = arith.constant 0 : i32
    %c0_i32_0 = arith.constant 0 : i32
    %c0_i32_1 = arith.constant 0 : i32
    return %c0_i32, %c0_i32_0 : i32, i32
  }
  func.func @transform_4(%arg0: i32, %arg1: i32) -> (i32, i32) {
    %c0_i32 = arith.constant 0 : i32
    %c0_i32_0 = arith.constant 0 : i32
    %c0_i32_1 = arith.constant 0 : i32
    return %c0_i32, %c0_i32_0 : i32, i32
  }
  func.func @transform_5(%arg0: i32, %arg1: i32) -> (i32, i32, i32) {
    %c0_i32 = arith.constant 0 : i32
    %c0_i32_0 = arith.constant 0 : i32
    return %arg0, %c0_i32, %arg1 : i32, i32, i32
  }
  func.func @transform_6(%arg0: i32, %arg1: i32) -> (i32, i32) {
    %c0_i32 = arith.constant 0 : i32
    %c0_i32_0 = arith.constant 0 : i32
    %c0_i32_1 = arith.constant 0 : i32
    return %c0_i32, %c0_i32_0 : i32, i32
  }
}

module attributes {stable_mosaic.version = 14 : i64} {
  func.func @_s4_body(%arg0: i32, %arg1: i32, %arg2: memref<1x16x4096xf32, #tpu.memory_space<vmem>>, %arg3: memref<16x2xf32, #tpu.memory_space<vmem>>, %arg4: memref<16x1xf32, #tpu.memory_space<vmem>>, %arg5: memref<16x1xf32, #tpu.memory_space<vmem>>, %arg6: memref<8x16xf32, #tpu.memory_space<vmem>>, %arg7: memref<8x1xf32, #tpu.memory_space<vmem>>, %arg8: memref<1x4096x8xf32, #tpu.memory_space<vmem>>) attributes {dimension_semantics = [#tpu.dimension_semantics<arbitrary>, #tpu.dimension_semantics<arbitrary>], iteration_bounds = array<i64: 8, 4>, scalar_prefetch = 0 : i64, scratch_operands = 0 : i64, tpu.core_type = #tpu.core_type<tc>, window_params = [{transform_indices = @transform_0, window_bounds = array<i64: 1, 16, 4096>}, {pipeline_mode = #tpu.pipeline_mode<synchronous>, transform_indices = @transform_1, window_bounds = array<i64: 16, 2>}, {pipeline_mode = #tpu.pipeline_mode<synchronous>, transform_indices = @transform_2, window_bounds = array<i64: 16, 1>}, {pipeline_mode = #tpu.pipeline_mode<synchronous>, transform_indices = @transform_3, window_bounds = array<i64: 16, 1>}, {pipeline_mode = #tpu.pipeline_mode<synchronous>, transform_indices = @transform_4, window_bounds = array<i64: 8, 16>}, {pipeline_mode = #tpu.pipeline_mode<synchronous>, transform_indices = @transform_5, window_bounds = array<i64: 8, 1>}, {transform_indices = @transform_6, window_bounds = array<i64: 1, 4096, 8>}]} {
    %get3A = arith.constant 0 : index
    %get3A_0 = arith.constant 0 : index
    %get3A_1 = vector.load %arg3[%get3A, %get3A_0] : memref<16x2xf32, #tpu.memory_space<vmem>>, vector<16x2xf32>
    %slice3A = vector.extract_strided_slice %get3A_1 {offsets = [0, 0], sizes = [16, 1], strides = [1, 1]} : vector<16x2xf32> to vector<16x1xf32>
    %div3A = arith.constant 1.310720e+05 : f32
    %div3A_2 = vector.broadcast %div3A : f32 to vector<16x1xf32>
    %div3A_3 = arith.divf %slice3A, %div3A_2 : vector<16x1xf32>
    %slice3A_4 = vector.extract_strided_slice %get3A_1 {offsets = [0, 1], sizes = [16, 1], strides = [1, 1]} : vector<16x2xf32> to vector<16x1xf32>
    %div3A_5 = arith.constant 1.310720e+05 : f32
    %div3A_6 = vector.broadcast %div3A_5 : f32 to vector<16x1xf32>
    %div3A_7 = arith.divf %slice3A_4, %div3A_6 : vector<16x1xf32>
    %mul3A = arith.mulf %div3A_3, %div3A_3 : vector<16x1xf32>
    %sub3A = arith.subf %div3A_7, %mul3A : vector<16x1xf32>
    %get3A_8 = arith.constant 0 : index
    %get3A_9 = arith.constant 0 : index
    %get3A_10 = vector.load %arg4[%get3A_8, %get3A_9] : memref<16x1xf32, #tpu.memory_space<vmem>>, vector<16x1xf32>
    %add3A = arith.constant 9.99999974E-6 : f32
    %add3A_11 = vector.broadcast %add3A : f32 to vector<16x1xf32>
    %add3A_12 = arith.addf %sub3A, %add3A_11 : vector<16x1xf32>
    %rsqrt3A = math.rsqrt %add3A_12 : vector<16x1xf32>
    %mul3A_13 = arith.mulf %get3A_10, %rsqrt3A : vector<16x1xf32>
    %get3A_14 = arith.constant 0 : index
    %get3A_15 = arith.constant 0 : index
    %get3A_16 = vector.load %arg5[%get3A_14, %get3A_15] : memref<16x1xf32, #tpu.memory_space<vmem>>, vector<16x1xf32>
    %mul3A_17 = arith.mulf %div3A_3, %mul3A_13 : vector<16x1xf32>
    %sub3A_18 = arith.subf %get3A_16, %mul3A_17 : vector<16x1xf32>
    %get3A_19 = arith.constant 0 : index
    %get3A_20 = arith.constant 0 : index
    %get3A_21 = arith.constant 0 : index
    %get3A_22 = vector.load %arg2[%get3A_19, %get3A_20, %get3A_21] : memref<1x16x4096xf32, #tpu.memory_space<vmem>>, vector<1x16x4096xf32>
    %get3A_23 = vector.shape_cast %get3A_22 : vector<1x16x4096xf32> to vector<16x4096xf32>
    %mul3A_24 = vector.broadcast %mul3A_13 : vector<16x1xf32> to vector<16x4096xf32>
    %mul3A_25 = arith.mulf %get3A_23, %mul3A_24 : vector<16x4096xf32>
    %add3A_26 = vector.broadcast %sub3A_18 : vector<16x1xf32> to vector<16x4096xf32>
    %add3A_27 = arith.addf %mul3A_25, %add3A_26 : vector<16x4096xf32>
    %max3A = arith.constant 0.000000e+00 : f32
    %max3A_28 = vector.broadcast %max3A : f32 to vector<16x4096xf32>
    %max3A_29 = arith.maximumf %add3A_27, %max3A_28 : vector<16x4096xf32>
    %get3A_30 = arith.constant 0 : index
    %get3A_31 = arith.constant 0 : index
    %get3A_32 = vector.load %arg6[%get3A_30, %get3A_31] : memref<8x16xf32, #tpu.memory_space<vmem>>, vector<8x16xf32>
    %dot_general3A = arith.constant dense<0.000000e+00> : vector<8x4096xf32>
    %dot_general3A_33 = tpu.matmul %get3A_32, %max3A_29, %dot_general3A {dimension_numbers = #tpu.dot_dimension_numbers<[1], [0], [0], [1], [0, 0, 1, 1], [], []>, transpose_lhs_hint = false} : vector<8x16xf32>, vector<16x4096xf32>, vector<8x4096xf32> -> vector<8x4096xf32>
    %get3A_34 = arith.constant 0 : index
    %get3A_35 = arith.constant 0 : index
    %get3A_36 = vector.load %arg7[%get3A_34, %get3A_35] : memref<8x1xf32, #tpu.memory_space<vmem>>, vector<8x1xf32>
    %add3A_37 = vector.broadcast %get3A_36 : vector<8x1xf32> to vector<8x4096xf32>
    %add3A_38 = arith.addf %dot_general3A_33, %add3A_37 : vector<8x4096xf32>
    %reduce_max3A = arith.constant dense<0xFF800000> : vector<4096xf32>
    %reduce_max3A_39 = vector.multi_reduction <maximumf>, %add3A_38, %reduce_max3A [0] : vector<8x4096xf32> to vector<4096xf32>
    %broadcast_in_dim3A = vector.shape_cast %reduce_max3A_39 : vector<4096xf32> to vector<1x4096xf32>
    %sub3A_40 = vector.broadcast %broadcast_in_dim3A : vector<1x4096xf32> to vector<8x4096xf32>
    %sub3A_41 = arith.subf %add3A_38, %sub3A_40 : vector<8x4096xf32>
    %exp3A = math.exp %sub3A_41 : vector<8x4096xf32>
    %reduce_sum3A = arith.constant dense<0.000000e+00> : vector<4096xf32>
    %reduce_sum3A_42 = vector.multi_reduction <add>, %exp3A, %reduce_sum3A [0] : vector<8x4096xf32> to vector<4096xf32>
    %broadcast_in_dim3A_43 = vector.shape_cast %reduce_sum3A_42 : vector<4096xf32> to vector<1x4096xf32>
    %div3A_44 = vector.broadcast %broadcast_in_dim3A_43 : vector<1x4096xf32> to vector<8x4096xf32>
    %div3A_45 = arith.divf %exp3A, %div3A_44 : vector<8x4096xf32>
    %transpose3A = tpu.transpose %div3A_45, [1, 0] : vector<8x4096xf32> -> vector<4096x8xf32>
    %swap3A = arith.constant 0 : index
    %swap3A_46 = arith.constant 0 : index
    %swap3A_47 = arith.constant 0 : index
    %swap3A_48 = vector.load %arg8[%swap3A, %swap3A_46, %swap3A_47] : memref<1x4096x8xf32, #tpu.memory_space<vmem>>, vector<1x4096x8xf32>
    %swap3A_49 = vector.shape_cast %swap3A_48 : vector<1x4096x8xf32> to vector<4096x8xf32>
    %swap3A_50 = vector.shape_cast %transpose3A : vector<4096x8xf32> to vector<1x4096x8xf32>
    tpu.vector_store %arg8[%swap3A, %swap3A_46, %swap3A_47], %swap3A_50 {strides = array<i32>} : memref<1x4096x8xf32, #tpu.memory_space<vmem>>, vector<1x4096x8xf32>,
    return
  }
  func.func @transform_0(%arg0: i32, %arg1: i32) -> (i32, i32, i32) {
    %c0_i32 = arith.constant 0 : i32
    %c0_i32_0 = arith.constant 0 : i32
    return %arg0, %c0_i32, %arg1 : i32, i32, i32
  }
  func.func @transform_1(%arg0: i32, %arg1: i32) -> (i32, i32) {
    %c0_i32 = arith.constant 0 : i32
    %c0_i32_0 = arith.constant 0 : i32
    %c0_i32_1 = arith.constant 0 : i32
    return %c0_i32, %c0_i32_0 : i32, i32
  }
  func.func @transform_2(%arg0: i32, %arg1: i32) -> (i32, i32) {
    %c0_i32 = arith.constant 0 : i32
    %c0_i32_0 = arith.constant 0 : i32
    %c0_i32_1 = arith.constant 0 : i32
    return %c0_i32, %c0_i32_0 : i32, i32
  }
  func.func @transform_3(%arg0: i32, %arg1: i32) -> (i32, i32) {
    %c0_i32 = arith.constant 0 : i32
    %c0_i32_0 = arith.constant 0 : i32
    %c0_i32_1 = arith.constant 0 : i32
    return %c0_i32, %c0_i32_0 : i32, i32
  }
  func.func @transform_4(%arg0: i32, %arg1: i32) -> (i32, i32) {
    %c0_i32 = arith.constant 0 : i32
    %c0_i32_0 = arith.constant 0 : i32
    %c0_i32_1 = arith.constant 0 : i32
    return %c0_i32, %c0_i32_0 : i32, i32
  }
  func.func @transform_5(%arg0: i32, %arg1: i32) -> (i32, i32) {
    %c0_i32 = arith.constant 0 : i32
    %c0_i32_0 = arith.constant 0 : i32
    %c0_i32_1 = arith.constant 0 : i32
    return %c0_i32, %c0_i32_0 : i32, i32
  }
  func.func @transform_6(%arg0: i32, %arg1: i32) -> (i32, i32, i32) {
    %c0_i32 = arith.constant 0 : i32
    %c0_i32_0 = arith.constant 0 : i32
    return %arg0, %arg1, %c0_i32 : i32, i32, i32
  }
}

module attributes {stable_mosaic.version = 14 : i64} {
  func.func @_agg_body(%arg0: i32, %arg1: i32, %arg2: memref<1x16x256x64xf32, #tpu.memory_space<vmem>>, %arg3: memref<1x256x16x8xf32, #tpu.memory_space<vmem>>, %arg4: memref<8x64x64xf32, #tpu.memory_space<vmem>>, %arg5: memref<1x256x64xf32, #tpu.memory_space<vmem>>, %arg6: memref<2x64xf32, #tpu.memory_space<vmem>>, %arg7: memref<2x64xf32, #tpu.memory_space<vmem>>) attributes {dimension_semantics = [#tpu.dimension_semantics<arbitrary>, #tpu.dimension_semantics<arbitrary>], iteration_bounds = array<i64: 8, 4>, scalar_prefetch = 0 : i64, scratch_operands = 1 : i64, tpu.core_type = #tpu.core_type<tc>, window_params = [{transform_indices = @transform_0, window_bounds = array<i64: 1, 16, 256, 64>}, {transform_indices = @transform_1, window_bounds = array<i64: 1, 256, 16, 8>}, {pipeline_mode = #tpu.pipeline_mode<synchronous>, transform_indices = @transform_2, window_bounds = array<i64: 8, 64, 64>}, {transform_indices = @transform_3, window_bounds = array<i64: 1, 256, 64>}, {pipeline_mode = #tpu.pipeline_mode<synchronous>, transform_indices = @transform_4, window_bounds = array<i64: 2, 64>}]} {
    %mul3A = arith.constant 4 : i32
    %mul3A_0 = arith.muli %arg0, %mul3A : i32
    %add3A = arith.addi %mul3A_0, %arg1 : i32
    %get3A = arith.constant 0 : index
    %get3A_1 = arith.constant 0 : index
    %get3A_2 = arith.constant 0 : index
    %get3A_3 = arith.constant 0 : index
    %get3A_4 = vector.load %arg2[%get3A, %get3A_1, %get3A_2, %get3A_3] : memref<1x16x256x64xf32, #tpu.memory_space<vmem>>, vector<1x16x256x64xf32>
    %get3A_5 = vector.shape_cast %get3A_4 : vector<1x16x256x64xf32> to vector<16x256x64xf32>
    %get3A_6 = arith.constant 0 : index
    %get3A_7 = arith.constant 0 : index
    %get3A_8 = arith.constant 0 : index
    %get3A_9 = arith.constant 0 : index
    %get3A_10 = vector.load %arg3[%get3A_6, %get3A_7, %get3A_8, %get3A_9] : memref<1x256x16x8xf32, #tpu.memory_space<vmem>>, vector<1x256x16x8xf32>
    %get3A_11 = vector.shape_cast %get3A_10 : vector<1x256x16x8xf32> to vector<256x16x8xf32>
    %transpose3A = tpu.transpose %get3A_11, [1, 0, 2] : vector<256x16x8xf32> -> vector<16x256x8xf32>
    %broadcast_in_dim3A = arith.constant 0.000000e+00 : f32
    %broadcast_in_dim3A_12 = vector.broadcast %broadcast_in_dim3A : f32 to vector<256x64xf32>
    %slice3A = vector.extract_strided_slice %transpose3A {offsets = [0, 0, 0], sizes = [16, 256, 1], strides = [1, 1, 1]} : vector<16x256x8xf32> to vector<16x256x1xf32>
    %mul3A_13 = vector.broadcast %slice3A : vector<16x256x1xf32> to vector<16x256x64xf32>
    %mul3A_14 = arith.mulf %get3A_5, %mul3A_13 : vector<16x256x64xf32>
    %reduce_sum3A = arith.constant dense<0.000000e+00> : vector<256x64xf32>
    %reduce_sum3A_15 = vector.multi_reduction <add>, %mul3A_14, %reduce_sum3A [0] : vector<16x256x64xf32> to vector<256x64xf32>
    %get3A_16 = arith.constant 0 : index
    %get3A_17 = arith.constant 0 : index
    %get3A_18 = arith.constant 0 : index
    %get3A_19 = vector.load %arg4[%get3A_16, %get3A_17, %get3A_18] : memref<8x64x64xf32, #tpu.memory_space<vmem>>, vector<1x64x64xf32>
    %get3A_20 = vector.shape_cast %get3A_19 : vector<1x64x64xf32> to vector<64x64xf32>
    %dot_general3A = arith.constant dense<0.000000e+00> : vector<256x64xf32>
    %dot_general3A_21 = tpu.matmul %reduce_sum3A_15, %get3A_20, %dot_general3A {dimension_numbers = #tpu.dot_dimension_numbers<[1], [0], [0], [1], [0, 0, 1, 1], [], []>, transpose_lhs_hint = false} : vector<256x64xf32>, vector<64x64xf32>, vector<256x64xf32> -> vector<256x64xf32>
    %add3A_22 = arith.addf %broadcast_in_dim3A_12, %dot_general3A_21 : vector<256x64xf32>
    %slice3A_23 = vector.extract_strided_slice %transpose3A {offsets = [0, 0, 1], sizes = [16, 256, 1], strides = [1, 1, 1]} : vector<16x256x8xf32> to vector<16x256x1xf32>
    %mul3A_24 = vector.broadcast %slice3A_23 : vector<16x256x1xf32> to vector<16x256x64xf32>
    %mul3A_25 = arith.mulf %get3A_5, %mul3A_24 : vector<16x256x64xf32>
    %reduce_sum3A_26 = arith.constant dense<0.000000e+00> : vector<256x64xf32>
    %reduce_sum3A_27 = vector.multi_reduction <add>, %mul3A_25, %reduce_sum3A_26 [0] : vector<16x256x64xf32> to vector<256x64xf32>
    %get3A_28 = arith.constant 1 : index
    %get3A_29 = arith.constant 0 : index
    %get3A_30 = arith.constant 0 : index
    %get3A_31 = vector.load %arg4[%get3A_28, %get3A_29, %get3A_30] : memref<8x64x64xf32, #tpu.memory_space<vmem>>, vector<1x64x64xf32>
    %get3A_32 = vector.shape_cast %get3A_31 : vector<1x64x64xf32> to vector<64x64xf32>
    %dot_general3A_33 = arith.constant dense<0.000000e+00> : vector<256x64xf32>
    %dot_general3A_34 = tpu.matmul %reduce_sum3A_27, %get3A_32, %dot_general3A_33 {dimension_numbers = #tpu.dot_dimension_numbers<[1], [0], [0], [1], [0, 0, 1, 1], [], []>, transpose_lhs_hint = false} : vector<256x64xf32>, vector<64x64xf32>, vector<256x64xf32> -> vector<256x64xf32>
    %add3A_35 = arith.addf %add3A_22, %dot_general3A_34 : vector<256x64xf32>
    %slice3A_36 = vector.extract_strided_slice %transpose3A {offsets = [0, 0, 2], sizes = [16, 256, 1], strides = [1, 1, 1]} : vector<16x256x8xf32> to vector<16x256x1xf32>
    %mul3A_37 = vector.broadcast %slice3A_36 : vector<16x256x1xf32> to vector<16x256x64xf32>
    %mul3A_38 = arith.mulf %get3A_5, %mul3A_37 : vector<16x256x64xf32>
    %reduce_sum3A_39 = arith.constant dense<0.000000e+00> : vector<256x64xf32>
    %reduce_sum3A_40 = vector.multi_reduction <add>, %mul3A_38, %reduce_sum3A_39 [0] : vector<16x256x64xf32> to vector<256x64xf32>
    %get3A_41 = arith.constant 2 : index
    %get3A_42 = arith.constant 0 : index
    %get3A_43 = arith.constant 0 : index
    %get3A_44 = vector.load %arg4[%get3A_41, %get3A_42, %get3A_43] : memref<8x64x64xf32, #tpu.memory_space<vmem>>, vector<1x64x64xf32>
    %get3A_45 = vector.shape_cast %get3A_44 : vector<1x64x64xf32> to vector<64x64xf32>
    %dot_general3A_46 = arith.constant dense<0.000000e+00> : vector<256x64xf32>
    %dot_general3A_47 = tpu.matmul %reduce_sum3A_40, %get3A_45, %dot_general3A_46 {dimension_numbers = #tpu.dot_dimension_numbers<[1], [0], [0], [1], [0, 0, 1, 1], [], []>, transpose_lhs_hint = false} : vector<256x64xf32>, vector<64x64xf32>, vector<256x64xf32> -> vector<256x64xf32>
    %add3A_48 = arith.addf %add3A_35, %dot_general3A_47 : vector<256x64xf32>
    %slice3A_49 = vector.extract_strided_slice %transpose3A {offsets = [0, 0, 3], sizes = [16, 256, 1], strides = [1, 1, 1]} : vector<16x256x8xf32> to vector<16x256x1xf32>
    %mul3A_50 = vector.broadcast %slice3A_49 : vector<16x256x1xf32> to vector<16x256x64xf32>
    %mul3A_51 = arith.mulf %get3A_5, %mul3A_50 : vector<16x256x64xf32>
    %reduce_sum3A_52 = arith.constant dense<0.000000e+00> : vector<256x64xf32>
    %reduce_sum3A_53 = vector.multi_reduction <add>, %mul3A_51, %reduce_sum3A_52 [0] : vector<16x256x64xf32> to vector<256x64xf32>
    %get3A_54 = arith.constant 3 : index
    %get3A_55 = arith.constant 0 : index
    %get3A_56 = arith.constant 0 : index
    %get3A_57 = vector.load %arg4[%get3A_54, %get3A_55, %get3A_56] : memref<8x64x64xf32, #tpu.memory_space<vmem>>, vector<1x64x64xf32>
    %get3A_58 = vector.shape_cast %get3A_57 : vector<1x64x64xf32> to vector<64x64xf32>
    %dot_general3A_59 = arith.constant dense<0.000000e+00> : vector<256x64xf32>
    %dot_general3A_60 = tpu.matmul %reduce_sum3A_53, %get3A_58, %dot_general3A_59 {dimension_numbers = #tpu.dot_dimension_numbers<[1], [0], [0], [1], [0, 0, 1, 1], [], []>, transpose_lhs_hint = false} : vector<256x64xf32>, vector<64x64xf32>, vector<256x64xf32> -> vector<256x64xf32>
    %add3A_61 = arith.addf %add3A_48, %dot_general3A_60 : vector<256x64xf32>
    %slice3A_62 = vector.extract_strided_slice %transpose3A {offsets = [0, 0, 4], sizes = [16, 256, 1], strides = [1, 1, 1]} : vector<16x256x8xf32> to vector<16x256x1xf32>
    %mul3A_63 = vector.broadcast %slice3A_62 : vector<16x256x1xf32> to vector<16x256x64xf32>
    %mul3A_64 = arith.mulf %get3A_5, %mul3A_63 : vector<16x256x64xf32>
    %reduce_sum3A_65 = arith.constant dense<0.000000e+00> : vector<256x64xf32>
    %reduce_sum3A_66 = vector.multi_reduction <add>, %mul3A_64, %reduce_sum3A_65 [0] : vector<16x256x64xf32> to vector<256x64xf32>
    %get3A_67 = arith.constant 4 : index
    %get3A_68 = arith.constant 0 : index
    %get3A_69 = arith.constant 0 : index
    %get3A_70 = vector.load %arg4[%get3A_67, %get3A_68, %get3A_69] : memref<8x64x64xf32, #tpu.memory_space<vmem>>, vector<1x64x64xf32>
    %get3A_71 = vector.shape_cast %get3A_70 : vector<1x64x64xf32> to vector<64x64xf32>
    %dot_general3A_72 = arith.constant dense<0.000000e+00> : vector<256x64xf32>
    %dot_general3A_73 = tpu.matmul %reduce_sum3A_66, %get3A_71, %dot_general3A_72 {dimension_numbers = #tpu.dot_dimension_numbers<[1], [0], [0], [1], [0, 0, 1, 1], [], []>, transpose_lhs_hint = false} : vector<256x64xf32>, vector<64x64xf32>, vector<256x64xf32> -> vector<256x64xf32>
    %add3A_74 = arith.addf %add3A_61, %dot_general3A_73 : vector<256x64xf32>
    %slice3A_75 = vector.extract_strided_slice %transpose3A {offsets = [0, 0, 5], sizes = [16, 256, 1], strides = [1, 1, 1]} : vector<16x256x8xf32> to vector<16x256x1xf32>
    %mul3A_76 = vector.broadcast %slice3A_75 : vector<16x256x1xf32> to vector<16x256x64xf32>
    %mul3A_77 = arith.mulf %get3A_5, %mul3A_76 : vector<16x256x64xf32>
    %reduce_sum3A_78 = arith.constant dense<0.000000e+00> : vector<256x64xf32>
    %reduce_sum3A_79 = vector.multi_reduction <add>, %mul3A_77, %reduce_sum3A_78 [0] : vector<16x256x64xf32> to vector<256x64xf32>
    %get3A_80 = arith.constant 5 : index
    %get3A_81 = arith.constant 0 : index
    %get3A_82 = arith.constant 0 : index
    %get3A_83 = vector.load %arg4[%get3A_80, %get3A_81, %get3A_82] : memref<8x64x64xf32, #tpu.memory_space<vmem>>, vector<1x64x64xf32>
    %get3A_84 = vector.shape_cast %get3A_83 : vector<1x64x64xf32> to vector<64x64xf32>
    %dot_general3A_85 = arith.constant dense<0.000000e+00> : vector<256x64xf32>
    %dot_general3A_86 = tpu.matmul %reduce_sum3A_79, %get3A_84, %dot_general3A_85 {dimension_numbers = #tpu.dot_dimension_numbers<[1], [0], [0], [1], [0, 0, 1, 1], [], []>, transpose_lhs_hint = false} : vector<256x64xf32>, vector<64x64xf32>, vector<256x64xf32> -> vector<256x64xf32>
    %add3A_87 = arith.addf %add3A_74, %dot_general3A_86 : vector<256x64xf32>
    %slice3A_88 = vector.extract_strided_slice %transpose3A {offsets = [0, 0, 6], sizes = [16, 256, 1], strides = [1, 1, 1]} : vector<16x256x8xf32> to vector<16x256x1xf32>
    %mul3A_89 = vector.broadcast %slice3A_88 : vector<16x256x1xf32> to vector<16x256x64xf32>
    %mul3A_90 = arith.mulf %get3A_5, %mul3A_89 : vector<16x256x64xf32>
    %reduce_sum3A_91 = arith.constant dense<0.000000e+00> : vector<256x64xf32>
    %reduce_sum3A_92 = vector.multi_reduction <add>, %mul3A_90, %reduce_sum3A_91 [0] : vector<16x256x64xf32> to vector<256x64xf32>
    %get3A_93 = arith.constant 6 : index
    %get3A_94 = arith.constant 0 : index
    %get3A_95 = arith.constant 0 : index
    %get3A_96 = vector.load %arg4[%get3A_93, %get3A_94, %get3A_95] : memref<8x64x64xf32, #tpu.memory_space<vmem>>, vector<1x64x64xf32>
    %get3A_97 = vector.shape_cast %get3A_96 : vector<1x64x64xf32> to vector<64x64xf32>
    %dot_general3A_98 = arith.constant dense<0.000000e+00> : vector<256x64xf32>
    %dot_general3A_99 = tpu.matmul %reduce_sum3A_92, %get3A_97, %dot_general3A_98 {dimension_numbers = #tpu.dot_dimension_numbers<[1], [0], [0], [1], [0, 0, 1, 1], [], []>, transpose_lhs_hint = false} : vector<256x64xf32>, vector<64x64xf32>, vector<256x64xf32> -> vector<256x64xf32>
    %add3A_100 = arith.addf %add3A_87, %dot_general3A_99 : vector<256x64xf32>
    %slice3A_101 = vector.extract_strided_slice %transpose3A {offsets = [0, 0, 7], sizes = [16, 256, 1], strides = [1, 1, 1]} : vector<16x256x8xf32> to vector<16x256x1xf32>
    %mul3A_102 = vector.broadcast %slice3A_101 : vector<16x256x1xf32> to vector<16x256x64xf32>
    %mul3A_103 = arith.mulf %get3A_5, %mul3A_102 : vector<16x256x64xf32>
    %reduce_sum3A_104 = arith.constant dense<0.000000e+00> : vector<256x64xf32>
    %reduce_sum3A_105 = vector.multi_reduction <add>, %mul3A_103, %reduce_sum3A_104 [0] : vector<16x256x64xf32> to vector<256x64xf32>
    %get3A_106 = arith.constant 7 : index
    %get3A_107 = arith.constant 0 : index
    %get3A_108 = arith.constant 0 : index
    %get3A_109 = vector.load %arg4[%get3A_106, %get3A_107, %get3A_108] : memref<8x64x64xf32, #tpu.memory_space<vmem>>, vector<1x64x64xf32>
    %get3A_110 = vector.shape_cast %get3A_109 : vector<1x64x64xf32> to vector<64x64xf32>
    %dot_general3A_111 = arith.constant dense<0.000000e+00> : vector<256x64xf32>
    %dot_general3A_112 = tpu.matmul %reduce_sum3A_105, %get3A_110, %dot_general3A_111 {dimension_numbers = #tpu.dot_dimension_numbers<[1], [0], [0], [1], [0, 0, 1, 1], [], []>, transpose_lhs_hint = false} : vector<256x64xf32>, vector<64x64xf32>, vector<256x64xf32> -> vector<256x64xf32>
    %add3A_113 = arith.addf %add3A_100, %dot_general3A_112 : vector<256x64xf32>
    %swap3A = arith.constant 0 : index
    %swap3A_114 = arith.constant 0 : index
    %swap3A_115 = arith.constant 0 : index
    %swap3A_116 = vector.load %arg5[%swap3A, %swap3A_114, %swap3A_115] : memref<1x256x64xf32, #tpu.memory_space<vmem>>, vector<1x256x64xf32>
    %swap3A_117 = vector.shape_cast %swap3A_116 : vector<1x256x64xf32> to vector<256x64xf32>
    %swap3A_118 = vector.shape_cast %add3A_113 : vector<256x64xf32> to vector<1x256x64xf32>
    tpu.vector_store %arg5[%swap3A, %swap3A_114, %swap3A_115], %swap3A_118 {strides = array<i32>} : memref<1x256x64xf32, #tpu.memory_space<vmem>>, vector<1x256x64xf32>,
    %eq3A = arith.constant 0 : i32
    %eq3A_119 = arith.cmpi eq, %add3A, %eq3A : i32
    %convert_element_type3A = arith.extui %eq3A_119 : i1 to i32
    %cond3A = arith.constant 0 : i32
    %cond3A_120 = arith.cmpi ne, %convert_element_type3A, %cond3A : i32
    scf.if %cond3A_120 {
      %broadcast_in_dim3A_140 = arith.constant 0.000000e+00 : f32
      %broadcast_in_dim3A_141 = vector.broadcast %broadcast_in_dim3A_140 : f32 to vector<2x64xf32>
      %swap3A_142 = arith.constant 0 : index
      %swap3A_143 = arith.constant 0 : index
      %swap3A_144 = vector.load %arg7[%swap3A_142, %swap3A_143] : memref<2x64xf32, #tpu.memory_space<vmem>>, vector<2x64xf32>
      tpu.vector_store %arg7[%swap3A_142, %swap3A_143], %broadcast_in_dim3A_141 {strides = array<i32>} : memref<2x64xf32, #tpu.memory_space<vmem>>, vector<2x64xf32>,
    } else {
    }
    %get3A_121 = arith.constant 0 : index
    %get3A_122 = arith.constant 0 : index
    %get3A_123 = vector.load %arg7[%get3A_121, %get3A_122] : memref<2x64xf32, #tpu.memory_space<vmem>>, vector<2x64xf32>
    %reduce_sum3A_124 = arith.constant dense<0.000000e+00> : vector<64xf32>
    %reduce_sum3A_125 = vector.multi_reduction <add>, %add3A_113, %reduce_sum3A_124 [0] : vector<256x64xf32> to vector<64xf32>
    %broadcast_in_dim3A_126 = vector.shape_cast %reduce_sum3A_125 : vector<64xf32> to vector<1x64xf32>
    %mul3A_127 = arith.mulf %add3A_113, %add3A_113 : vector<256x64xf32>
    %reduce_sum3A_128 = arith.constant dense<0.000000e+00> : vector<64xf32>
    %reduce_sum3A_129 = vector.multi_reduction <add>, %mul3A_127, %reduce_sum3A_128 [0] : vector<256x64xf32> to vector<64xf32>
    %broadcast_in_dim3A_130 = vector.shape_cast %reduce_sum3A_129 : vector<64xf32> to vector<1x64xf32>
    %concatenate3A = tpu.concatenate %broadcast_in_dim3A_126, %broadcast_in_dim3A_130 in 0 : vector<1x64xf32>, vector<1x64xf32> -> vector<2x64xf32>
    %add3A_131 = arith.addf %get3A_123, %concatenate3A : vector<2x64xf32>
    %swap3A_132 = arith.constant 0 : index
    %swap3A_133 = arith.constant 0 : index
    %swap3A_134 = vector.load %arg7[%swap3A_132, %swap3A_133] : memref<2x64xf32, #tpu.memory_space<vmem>>, vector<2x64xf32>
    tpu.vector_store %arg7[%swap3A_132, %swap3A_133], %add3A_131 {strides = array<i32>} : memref<2x64xf32, #tpu.memory_space<vmem>>, vector<2x64xf32>,
    %eq3A_135 = arith.constant 31 : i32
    %eq3A_136 = arith.cmpi eq, %add3A, %eq3A_135 : i32
    %convert_element_type3A_137 = arith.extui %eq3A_136 : i1 to i32
    %cond3A_138 = arith.constant 0 : i32
    %cond3A_139 = arith.cmpi ne, %convert_element_type3A_137, %cond3A_138 : i32
    scf.if %cond3A_139 {
      %get3A_140 = arith.constant 0 : index
      %get3A_141 = arith.constant 0 : index
      %get3A_142 = vector.load %arg7[%get3A_140, %get3A_141] : memref<2x64xf32, #tpu.memory_space<vmem>>, vector<2x64xf32>
      %swap3A_143 = arith.constant 0 : index
      %swap3A_144 = arith.constant 0 : index
      %swap3A_145 = vector.load %arg6[%swap3A_143, %swap3A_144] : memref<2x64xf32, #tpu.memory_space<vmem>>, vector<2x64xf32>
      tpu.vector_store %arg6[%swap3A_143, %swap3A_144], %get3A_142 {strides = array<i32>} : memref<2x64xf32, #tpu.memory_space<vmem>>, vector<2x64xf32>,
    } else {
    }
    return
  }
  func.func @transform_0(%arg0: i32, %arg1: i32) -> (i32, i32, i32, i32) {
    %c0_i32 = arith.constant 0 : i32
    %c0_i32_0 = arith.constant 0 : i32
    %c0_i32_1 = arith.constant 0 : i32
    return %arg0, %c0_i32, %arg1, %c0_i32_0 : i32, i32, i32, i32
  }
  func.func @transform_1(%arg0: i32, %arg1: i32) -> (i32, i32, i32, i32) {
    %c0_i32 = arith.constant 0 : i32
    %c0_i32_0 = arith.constant 0 : i32
    %c0_i32_1 = arith.constant 0 : i32
    return %arg0, %arg1, %c0_i32, %c0_i32_0 : i32, i32, i32, i32
  }
  func.func @transform_2(%arg0: i32, %arg1: i32) -> (i32, i32, i32) {
    %c0_i32 = arith.constant 0 : i32
    %c0_i32_0 = arith.constant 0 : i32
    %c0_i32_1 = arith.constant 0 : i32
    %c0_i32_2 = arith.constant 0 : i32
    return %c0_i32, %c0_i32_0, %c0_i32_1 : i32, i32, i32
  }
  func.func @transform_3(%arg0: i32, %arg1: i32) -> (i32, i32, i32) {
    %c0_i32 = arith.constant 0 : i32
    %c0_i32_0 = arith.constant 0 : i32
    return %arg0, %arg1, %c0_i32 : i32, i32, i32
  }
  func.func @transform_4(%arg0: i32, %arg1: i32) -> (i32, i32) {
    %c0_i32 = arith.constant 0 : i32
    %c0_i32_0 = arith.constant 0 : i32
    %c0_i32_1 = arith.constant 0 : i32
    return %c0_i32, %c0_i32_0 : i32, i32
  }
}

module attributes {stable_mosaic.version = 14 : i64} {
  func.func @_fin_body(%arg0: i32, %arg1: i32, %arg2: memref<1x512x64xf32, #tpu.memory_space<vmem>>, %arg3: memref<2x64xf32, #tpu.memory_space<vmem>>, %arg4: memref<1x64xf32, #tpu.memory_space<vmem>>, %arg5: memref<1x64xf32, #tpu.memory_space<vmem>>, %arg6: memref<1x64x512xf32, #tpu.memory_space<vmem>>) attributes {dimension_semantics = [#tpu.dimension_semantics<arbitrary>, #tpu.dimension_semantics<arbitrary>], iteration_bounds = array<i64: 8, 2>, scalar_prefetch = 0 : i64, scratch_operands = 0 : i64, tpu.core_type = #tpu.core_type<tc>, window_params = [{transform_indices = @transform_0, window_bounds = array<i64: 1, 512, 64>}, {pipeline_mode = #tpu.pipeline_mode<synchronous>, transform_indices = @transform_1, window_bounds = array<i64: 2, 64>}, {pipeline_mode = #tpu.pipeline_mode<synchronous>, transform_indices = @transform_2, window_bounds = array<i64: 1, 64>}, {pipeline_mode = #tpu.pipeline_mode<synchronous>, transform_indices = @transform_3, window_bounds = array<i64: 1, 64>}, {transform_indices = @transform_4, window_bounds = array<i64: 1, 64, 512>}]} {
    %get3A = arith.constant 0 : index
    %get3A_0 = arith.constant 0 : index
    %get3A_1 = vector.load %arg3[%get3A, %get3A_0] : memref<2x64xf32, #tpu.memory_space<vmem>>, vector<1x64xf32>
    %div3A = arith.constant 8.192000e+03 : f32
    %div3A_2 = vector.broadcast %div3A : f32 to vector<1x64xf32>
    %div3A_3 = arith.divf %get3A_1, %div3A_2 : vector<1x64xf32>
    %get3A_4 = arith.constant 1 : index
    %get3A_5 = arith.constant 0 : index
    %get3A_6 = vector.load %arg3[%get3A_4, %get3A_5] : memref<2x64xf32, #tpu.memory_space<vmem>>, vector<1x64xf32>
    %div3A_7 = arith.constant 8.192000e+03 : f32
    %div3A_8 = vector.broadcast %div3A_7 : f32 to vector<1x64xf32>
    %div3A_9 = arith.divf %get3A_6, %div3A_8 : vector<1x64xf32>
    %mul3A = arith.mulf %div3A_3, %div3A_3 : vector<1x64xf32>
    %sub3A = arith.subf %div3A_9, %mul3A : vector<1x64xf32>
    %get3A_10 = arith.constant 0 : index
    %get3A_11 = arith.constant 0 : index
    %get3A_12 = vector.load %arg4[%get3A_10, %get3A_11] : memref<1x64xf32, #tpu.memory_space<vmem>>, vector<1x64xf32>
    %add3A = arith.constant 9.99999974E-6 : f32
    %add3A_13 = vector.broadcast %add3A : f32 to vector<1x64xf32>
    %add3A_14 = arith.addf %sub3A, %add3A_13 : vector<1x64xf32>
    %rsqrt3A = math.rsqrt %add3A_14 : vector<1x64xf32>
    %mul3A_15 = arith.mulf %get3A_12, %rsqrt3A : vector<1x64xf32>
    %get3A_16 = arith.constant 0 : index
    %get3A_17 = arith.constant 0 : index
    %get3A_18 = vector.load %arg5[%get3A_16, %get3A_17] : memref<1x64xf32, #tpu.memory_space<vmem>>, vector<1x64xf32>
    %mul3A_19 = arith.mulf %div3A_3, %mul3A_15 : vector<1x64xf32>
    %sub3A_20 = arith.subf %get3A_18, %mul3A_19 : vector<1x64xf32>
    %get3A_21 = arith.constant 0 : index
    %get3A_22 = arith.constant 0 : index
    %get3A_23 = arith.constant 0 : index
    %get3A_24 = vector.load %arg2[%get3A_21, %get3A_22, %get3A_23] : memref<1x512x64xf32, #tpu.memory_space<vmem>>, vector<1x512x64xf32>
    %get3A_25 = vector.shape_cast %get3A_24 : vector<1x512x64xf32> to vector<512x64xf32>
    %mul3A_26 = vector.broadcast %mul3A_15 : vector<1x64xf32> to vector<512x64xf32>
    %mul3A_27 = arith.mulf %get3A_25, %mul3A_26 : vector<512x64xf32>
    %add3A_28 = vector.broadcast %sub3A_20 : vector<1x64xf32> to vector<512x64xf32>
    %add3A_29 = arith.addf %mul3A_27, %add3A_28 : vector<512x64xf32>
    %max3A = arith.constant 0.000000e+00 : f32
    %max3A_30 = vector.broadcast %max3A : f32 to vector<512x64xf32>
    %max3A_31 = arith.maximumf %add3A_29, %max3A_30 : vector<512x64xf32>
    %transpose3A = tpu.transpose %max3A_31, [1, 0] : vector<512x64xf32> -> vector<64x512xf32>
    %swap3A = arith.constant 0 : index
    %swap3A_32 = arith.constant 0 : index
    %swap3A_33 = arith.constant 0 : index
    %swap3A_34 = vector.load %arg6[%swap3A, %swap3A_32, %swap3A_33] : memref<1x64x512xf32, #tpu.memory_space<vmem>>, vector<1x64x512xf32>
    %swap3A_35 = vector.shape_cast %swap3A_34 : vector<1x64x512xf32> to vector<64x512xf32>
    %swap3A_36 = vector.shape_cast %transpose3A : vector<64x512xf32> to vector<1x64x512xf32>
    tpu.vector_store %arg6[%swap3A, %swap3A_32, %swap3A_33], %swap3A_36 {strides = array<i32>} : memref<1x64x512xf32, #tpu.memory_space<vmem>>, vector<1x64x512xf32>,
    return
  }
  func.func @transform_0(%arg0: i32, %arg1: i32) -> (i32, i32, i32) {
    %c0_i32 = arith.constant 0 : i32
    %c0_i32_0 = arith.constant 0 : i32
    return %arg0, %arg1, %c0_i32 : i32, i32, i32
  }
  func.func @transform_1(%arg0: i32, %arg1: i32) -> (i32, i32) {
    %c0_i32 = arith.constant 0 : i32
    %c0_i32_0 = arith.constant 0 : i32
    %c0_i32_1 = arith.constant 0 : i32
    return %c0_i32, %c0_i32_0 : i32, i32
  }
  func.func @transform_2(%arg0: i32, %arg1: i32) -> (i32, i32) {
    %c0_i32 = arith.constant 0 : i32
    %c0_i32_0 = arith.constant 0 : i32
    %c0_i32_1 = arith.constant 0 : i32
    return %c0_i32, %c0_i32_0 : i32, i32
  }
  func.func @transform_3(%arg0: i32, %arg1: i32) -> (i32, i32) {
    %c0_i32 = arith.constant 0 : i32
    %c0_i32_0 = arith.constant 0 : i32
    %c0_i32_1 = arith.constant 0 : i32
    return %c0_i32, %c0_i32_0 : i32, i32
  }
  func.func @transform_4(%arg0: i32, %arg1: i32) -> (i32, i32, i32) {
    %c0_i32 = arith.constant 0 : i32
    %c0_i32_0 = arith.constant 0 : i32
    return %arg0, %c0_i32, %arg1 : i32, i32, i32
  }
}

</mosaic_0001>

<sc_bundles>
// kernel: kernel.11.cloned.1.call-start
scs
__scs_entry_jumppad:
0x0: {  	(pc) =	sbr.rel $0x88, $3  }
0x1: {  	(tag) =	ssettag $0x0;
	lr =	simm.s32 $0x1  }
0x2: {  	[smem:$0x3F8D] =	sst lr;
	_ =	strace $0xD0000000  }
0x3: {  	_ = 	snop  }
0x4: {  	_ = 	snop  }
0x5: {  	_ = 	snop  }
0x6: {  	_ = 	snop  }
0x7: {  	_ = 	snop  }
__scs_overlays_trampoline_lowered:
0x8: {  	[smem:$0x3F9C] =	sst s0  }
0x9: {  	[smem:$0x3F9D] =	sst s1  }
0xa: {  	[smem:$0x3F9E] =	sst s2  }
0xb: {  	[smem:$0x3F9F] =	sst s3  }
0xc: {  	[smem:$0x3FA0] =	sst s4  }
0xd: {  	[smem:$0x3FA1] =	sst s5  }
0xe: {  	[smem:$0x3FA2] =	sst s6  }
0xf: {  	[smem:$0x3FA3] =	sst s7  }
0x10: {  	[smem:$0x3FA4] =	sst s8  }
0x11: {  	[smem:$0x3FA5] =	sst s9;
	s0 =	simm.s32 @!p0 $0x0  }
0x12: {  	s1 =	sld [smem:$0x3F8B];
	s0 =	simm.s32 @p0 $0x1  }
0x13: {  	[smem:$0x3FA6] =	sst s0;
	s0 =	simm.s32 @!p1 $0x0  }
0x14: {  	s2 =	sld [smem:$0x3F8A];
	s0 =	simm.s32 @p1 $0x1  }
0x15: {  	[smem:$0x3FA7] =	sst s0;
	s0 =	simm.s32 @!p2 $0x0  }
0x16: {  	s3 =	sld [smem:$0x3FDB];
	s0 =	simm.s32 @p2 $0x1  }
0x17: {  	s4 =	simm.s32 $0x1BF5;
	[smem:$0x3FA9] =	sst s0  }
0x18: {  	s0 =	sld [smem:$0x3F8C];
	_ =	swait.ge [sflag:s4], $0x0  }
0x19: {  	s7 =	sld [smem:$0x3F8D]  }
0x1a: {  	s8 =	sadd.s32 $0xFFFFE003, lr  }
0x1b: {  	s9 =	sadd.s32 $0xFFFFFEF7, lr;
	s5 =	simm.s32 $0xFFFFFFFF;
	p2 =	slt.u32 s8, $0xFFFFF086  }
0x1c: {  	p1 =	slt.u32 s9, $0xF7A;
	s5 =	simm.s32 @!p2 $0x0  }
0x1d: {  	s5 =	simm.s32 @p1 $0x1;
	p0 =	seq.s32 s7, s2  }
0x1e: {  	s7 =	smul.u32 @!p0 $0xF7A, s2;
	p2 =	seq.s32 @!p0 s5, $0x0  }
0x1f: {  	s9 =	smul.u32 $0xF7A, s1;
	s8 =	simm.s32 @!p0 $0x1BF5;
	p2 =	por !p2, p0  }
0x20: {  	[sflag:s8] =	ssyncset.s32 @!p0 $0xFFFFF086;
	s6 =	sadd.s32 @!p0 s3, s7;
	s7 =	simm.s32 @!p0 $0x108  }
0x21: {  	s3 =	sadd.s32 s3, s9;
	s6 =	sadd.s32 @!p0 $0x88, s6;
	s7 =	simm.s32 @p2 $0x1082  }
0x22: {  	[simem:s7], [sflag:s8] =	dma.local @!p0 [hbm:s6], $0xF7A  }
0x23: {  	s9 =	sor.u32 $0xD0000000, s2;
	s6 =	simm.s32 $0x108;
	_ =	swait.ge @!p0 [sflag:s8], $0x0  }
0x24: {  	s3 =	sadd.s32 $0x88, s3;
	s6 =	simm.s32 @!p1 $0x1082;
	[sflag:s4] =	ssyncset.s32 $0xFFFFF086  }
0x25: {  	[simem:s6], [sflag:s4] =	dma.local [hbm:s3], $0xF7A  }
0x26: {  	[smem:$0x3F8D] =	sst s1;
	(tag) =	ssettag s2;
	_ =	strace s9  }
0x27: {  	s1 =	sld [smem:$0x3F9D]  }
0x28: {  	s2 =	sld [smem:$0x3F9E]  }
0x29: {  	s4 =	sld [smem:$0x3FA0]  }
0x2a: {  	p0 =	seq.s32 s5, $0x0;
	s5 =	sld [smem:$0x3FA1]  }
0x2b: {  	s6 =	sld [smem:$0x3FA2]  }
0x2c: {  	s7 =	sld [smem:$0x3FA3]  }
0x2d: {  	s3 =	simm.s32 $0x108;
	s8 =	sld [smem:$0x3FA4]  }
0x2e: {  	s3 =	simm.s32 @!p0 $0x1082;
	s9 =	sld [smem:$0x3FA5]  }
0x2f: {  	lr =	sadd.s32 s0, s3;
	s0 =	sld [smem:$0x3F9C]  }
0x30: {  	s3 =	sld [smem:$0x3F9F]  }
0x31: {  	[smem:$0x3FA8] =	sst s10  }
0x32: {  	s10 =	sld [smem:$0x3FA6];
	_ =	sdelay $0x3  }
0x33: {  	p0 =	seq.s32 s10, $0x1;
	s10 =	sld [smem:$0x3FA8];
	_ =	sdelay $0x3  }
0x34: {  	[smem:$0x3FA8] =	sst s10  }
0x35: {  	s10 =	sld [smem:$0x3FA7];
	_ =	sdelay $0x3  }
0x36: {  	p1 =	seq.s32 s10, $0x1;
	s10 =	sld [smem:$0x3FA8];
	_ =	sdelay $0x3  }
0x37: {  	[smem:$0x3FA8] =	sst s10  }
0x38: {  	s10 =	sld [smem:$0x3FA9]  }
0x39: {  	_ = 	snop;
	(pc) =	sbr.ind lr, $3  }
0x3a: {  	_ = 	snop  }
0x3b: {  	_ = 	snop  }
0x3c: {  	p2 =	seq.s32 s10, $0x1;
	s10 =	sld [smem:$0x3FA8]  }
0x3d: {  	_ =	shalt  }
0x3e: {  	_ =	shalt  }
0x3f: {  	_ =	shalt  }
0x40: {  	_ =	shalt  }
0x41: {  	_ =	shalt  }
0x42: {  	_ =	shalt  }
0x43: {  	_ =	shalt  }
0x44: {  	_ =	shalt  }
0x45: {  	_ =	shalt  }
0x46: {  	_ =	shalt  }
0x47: {  	_ =	shalt  }
0x48: {  	_ =	shalt  }
0x49: {  	_ =	shalt  }
0x4a: {  	_ =	shalt  }
0x4b: {  	_ =	shalt  }
0x4c: {  	_ =	shalt  }
0x4d: {  	_ =	shalt  }
0x4e: {  	_ =	shalt  }
0x4f: {  	_ =	shalt  }
0x50: {  	_ =	shalt  }
0x51: {  	_ =	shalt  }
0x52: {  	_ =	shalt  }
0x53: {  	_ =	shalt  }
0x54: {  	_ =	shalt  }
0x55: {  	_ =	shalt  }
0x56: {  	_ =	shalt  }
0x57: {  	_ =	shalt  }
0x58: {  	_ =	shalt  }
0x59: {  	_ =	shalt  }
0x5a: {  	_ =	shalt  }
0x5b: {  	_ =	shalt  }
0x5c: {  	_ =	shalt  }
0x5d: {  	_ =	shalt  }
0x5e: {  	_ =	shalt  }
0x5f: {  	_ =	shalt  }
0x60: {  	_ =	shalt  }
0x61: {  	_ =	shalt  }
0x62: {  	_ =	shalt  }
0x63: {  	_ =	shalt  }
0x64: {  	_ =	shalt  }
0x65: {  	_ =	shalt  }
0x66: {  	_ =	shalt  }
0x67: {  	_ =	shalt  }
0x68: {  	_ =	shalt  }
0x69: {  	_ =	shalt  }
0x6a: {  	_ =	shalt  }
0x6b: {  	_ =	shalt  }
0x6c: {  	_ =	shalt  }
0x6d: {  	_ =	shalt  }
0x6e: {  	_ =	shalt  }
0x6f: {  	_ =	shalt  }
0x70: {  	_ =	shalt  }
0x71: {  	_ =	shalt  }
0x72: {  	_ =	shalt  }
0x73: {  	_ =	shalt  }
0x74: {  	_ =	shalt  }
0x75: {  	_ =	shalt  }
0x76: {  	_ =	shalt  }
0x77: {  	_ =	shalt  }
0x78: {  	_ =	shalt  }
0x79: {  	_ =	shalt  }
0x7a: {  	_ =	shalt  }
0x7b: {  	_ =	shalt  }
0x7c: {  	_ =	shalt  }
0x7d: {  	_ =	shalt  }
0x7e: {  	_ =	shalt  }
0x7f: {  	_ =	shalt  }
0x80: {  	_ =	shalt  }
0x81: {  	_ =	shalt  }
0x82: {  	_ =	shalt  }
0x83: {  	_ =	shalt  }
0x84: {  	_ =	shalt  }
0x85: {  	_ =	shalt  }
0x86: {  	_ =	shalt  }
0x87: {  	_ =	shalt  }
.Lfunc_end0:
.L_simem_size_0:
called_computation_lowered:
.L_overlay_start_0:
0x88: {  	s2 =	sld [smem:$0x3FD9]  }
0x89: {  	s3 =	sld [smem:$0x3FFE];
	_ =	sdelay $0x1  }
0x8a: {  	s1 =	srdreg.scid  }
0x8b: {  	s0 =	sand.u32 $0x1, s1  }
0x8c: {  	s17 =	sshll.u32 s0, $0xA;
	s2 =	sadd.s32 s3, s2  }
0x8d: {  	s2 =	sadd.s32 s2, s17  }
0x8e: {  	[smem:$0x3FB4] =	sst s2  }
0x8f: {  	_ = 	snop  }
0x90: {  	s2 =	sld [smem:$0x3FD0];
	(tm) =	ssettm $0x1  }
0x91: {  	s18 =	sld [smem:$0x3FFB];
	_ =	sdelay $0x3  }
0x92: {  	_ =	strace s18  }
0x93: {  	s3 =	sld [smem:$0x3FFC];
	_ =	sdelay $0x3  }
0x94: {  	_ =	strace s3  }
0x95: {  	s3 =	sld [smem:$0x3FFD];
	_ =	sdelay $0x3  }
0x96: {  	_ =	strace s3  }
0x97: {  	_ =	strace $0x8FFFFFFF  }
0x98: {  	s19 =	sld [smem:$0x3FDB];
	_ =	sdelay $0x1  }
0x99: {  	s4 =	simm.s32 $_scs_section_size  }
0x9a: {  	s5 =	simm.s32 $_size__tile_overlayer_lowered;
	s6 =	simm.s32 $_tile_overlayer_lowered  }
0x9b: {  	s22 =	simm.s32 $0x1BFF;
	s21 =	sshll.u32 s6, $0x1;
	s3 =	sadd.s32 s4, s19  }
0x9c: {  	s7 =	simm.s32 $0x0;
	s20 =	sshll.u32 s5, $0x1;
	s5 =	sadd.s32 s21, s3  }
0x9d: {  	[timem:s7], [sflag:s22] =	dma.local [hbm:s5], s20  }
0x9e: {  	_ =	swait.ge [sflag:s22], s20  }
0x9f: {  	s4 =	ssub.s32 $0x0, s20;
	[sflag:s22] =	ssyncset.done $0x0  }
0xa0: {  	[sflag:s22] =	ssyncadd.s32 s4;
	_ =	sdelay $0x1  }
0xa1: {  	s23 =	simm.s32 $0x1B8B  }
0xa2: {  	_ =	swait.ge [sflag:s23], $0x1  }
0xa3: {  	[sflag:s23] =	ssyncset.done $0x0  }
0xa4: {  	s25 =	simm.s32 $0x1B8E;
	s24 =	sld [smem:$0x3FFE];
	[sflag:s23] =	ssyncadd.s32 $0xFFFFFFFF  }
0xa5: {  	s26 =	simm.s32 $execute0_lowered;
	[smem:$0x3FD2] =	sst s25  }
0xa6: {  	s5 =	sshll.u32 s26, $0x1;
	_ =	strace $0x80000046;
	[dreg:$0x1] =	wrdreg $0xFFFFFFFF  }
0xa7: {  	s28 =	simm.s32 $_size_execute0_lowered;
	s3 =	sadd.s32 s3, s5;
	[dreg:$0x0] =	wrdreg $0x0  }
0xa8: {  	s5 =	sshll.u32 s28, $0x1;
	[dreg:$0x2] =	wrdreg s3  }
0xa9: {  	[dreg:$0x3] =	wrdreg s5  }
0xaa: {  	[dreg:$0x4] =	wrdreg $0xC0  }
0xab: {  	_ =	task [dreg:s7], $0x5FFFF  }
0xac: {  	[dreg:$0x1] =	wrdreg $0xFFFFFFFF  }
0xad: {  	[dreg:$0x0] =	wrdreg $0x60  }
0xae: {  	[dreg:$0x2] =	wrdreg s2  }
0xaf: {  	[dreg:$0x3] =	wrdreg s24  }
0xb0: {  	[dreg:$0x4] =	wrdreg $0x9  }
0xb1: {  	_ =	task.clear_ibuf [dreg:s7], $0x5FFFF;
	_ =	strace $0x90000046  }
0xb2: {  	s29 =	simm.s32 $0x9;
	_ =	strace $0x80000048  }
0xb3: {  	_ =	swait.ge [sflag:s29], $0x1  }
0xb4: {  	[sflag:s29] =	ssyncadd.s32 $0xFFFFFFFF  }
0xb5: {  	_ =	strace $0x90000048  }
0xb6: {  	_ =	sfence  }
0xb7: {  	s30 =	sld [smem:$0x0];
	_ =	sdelay $0x2  }
0xb8: {  	s31 =	sshll.u32 s1, $0xD;
	s1 =	sshrl.u32 s1, $0x2  }
0xb9: {  	s3 =	sand.u32 $0x4000, s31;
	s1 =	sadd.s32 s1, s30  }
0xba: {  	s0 =	sor.u32 s3, s0;
	s1 =	sshll.u32 s1, $0x11  }
0xbb: {  	s0 =	sor.u32 s1, s0  }
0xbc: {  	s0 =	sadd.s32 $0x8F2B, s0  }
0xbd: {  	[sflag:s0] =	ssyncadd.remote.s32 $0x1  }
0xbe: {  	_ =	sfence.sel $0xFFFF  }
0xbf: {  	[dreg:$0x0] =	wrdreg $0xFFFFFFFF;
	(pc) =	sbr.abs _section_cstart, $3  }
0xc0: {  	[dreg:$0x1] =	wrdreg $0xFFFFFFFF  }
0xc1: {  	_ =	task.clear_ibuf [dreg:s7], $0x2FFFF;
	_ =	strace $0x9FFFFFFF  }
0xc2: {  	(tm) =	ssettm $0x7FFFFFFF  }
0xc3: {  	_ =	shalt  }
tec
execute0_lowered:
.L_overlay_start_1:
0x0: {  	(tag) =	ssettag $0x1  }
0x1: {  	s1 =	rddreg [dreg:$0x0]  }
0x2: {  	s4 =	rddreg [dreg:$0x1]  }
0x3: {  	s0 =	rddreg [dreg:$0x2];
	s5 =	srdreg.scid  }
0x4: {  	s3 =	simm.s32 $0x0;
	s2 =	stileid.u32;
	s10 =	simm.s32 $0x0  }
0x5: {  	s5 =	sand.u32 $0x1, s5;
	[smem:$0x7FF] =	sst s3;
	s6 =	sshll.u32 s2, $0xD  }
0x6: {  	s8 =	sshll.u32 s2, $0x10;
	s7 =	sshll.u32 s5, $0xC;
	_ =	strace $0x80000047  }
0x7: {  	s31 =	ssub.s32 $0x2, s5;
	s8 =	sadd.s32 s8, s4;
	s5 =	sshll.u32 s5, $0xF  }
0x8: {  	s6 =	sor.u32 s7, s6;
	s9 =	sshrl.u32 s31, $0x1;
	s5 =	sadd.s32 s5, s8  }
0x9: {  	s8 =	simm.s32 $0x80;
	s6 =	sshrl.u32 s6, $0x3;
	s7 =	ssub.s32 s31, s9  }
0xa: {  	s5 =	sadd.s32 $0x6E00, s5;
	s9 =	simm.s32 $0x1;
	s6 =	sadd.s32 s6, s4  }
0xb: {  	s4 =	smax.u32 s7, $0x1;
	s7 =	simm.s32 $0x2;
	s6 =	sadd.s32 $0x2E00, s6  }
.LBB2_1:
0xc: {  	s11 =	sadd.s32 $0x0, s6  }
0xd: {  	[tilespmem:s3], [sflag:$0x2] =	stream.linear.gather [hbm4b:s11+s3], $0x80, $0x38;
	[tilespmem:$0x2080] =	vst v63  }
0xe: {  	_ =	swait.ge [sflag:s7], $0x80  }
0xf: {  	[sflag:s7] =	ssyncset.done $0x0  }
0x10: {  	[sflag:s7] =	ssyncadd.s32 $0xFFFFFF80  }
0x11: {  	[tilespmem:s8], [sflag:$0x1] =	stream.indirect.gather [hbm4b:s1+s8], $0x40, s3, s8, $0xb8;
	[tilespmem:$0x2080] =	vst v63  }
0x12: {  	_ =	swait.ge [sflag:s9], $0x2000  }
0x13: {  	[sflag:s9] =	ssyncset.done $0x0  }
0x14: {  	[sflag:s9] =	ssyncadd.s32 $0xFFFFE000  }
0x15: {  	[hbm4b:s5+s3] =	stream.linear.scatter [tilespmem:s8], [sflag:$0x2], $0x2000, $0x38;
	[tilespmem:$0x2080] =	vst v63  }
0x16: {  	s12 =	simm.s32 $0x10;
	_ =	swait.ge [sflag:s7], $0x2000  }
0x17: {  	s13 =	simm.s32 $0x20;
	s11 =	sadd.s32 $0x400, s5;
	[sflag:s7] =	ssyncset.done $0x0  }
.LBB2_2:
0x18: {  	s14 =	sadd.s32 s12, s6  }
0x19: {  	[sflag:s7] =	ssyncadd.s32 $0xFFFFE000;
	s12 =	smov.u32 s13;
	s15 =	sadd.s32 $0x10, s13  }
0x1a: {  	[tilespmem:s3], [sflag:$0x2] =	stream.linear.gather [hbm4b:s14+s3], $0x80, $0x38;
	[tilespmem:$0x2080] =	vst v63  }
0x1b: {  	p0 =	sne.s32 s13, $0x1F0;
	_ =	swait.ge [sflag:s7], $0x80  }
0x1c: {  	[sflag:s7] =	ssyncset.done $0x0  }
0x1d: {  	[sflag:s7] =	ssyncadd.s32 $0xFFFFFF80  }
0x1e: {  	[tilespmem:s8], [sflag:$0x1] =	stream.indirect.gather [hbm4b:s1+s8], $0x40, s3, s8, $0xb8;
	[tilespmem:$0x2080] =	vst v63  }
0x1f: {  	_ =	swait.ge [sflag:s9], $0x2000  }
.Ltmp0:
0x20: {  	[sflag:s9] =	ssyncset.done $0x0;
	(pc) =	sbr.rel @p0 .LBB2_2-.Ltmp0, $4  }
0x21: {  	[sflag:s9] =	ssyncadd.s32 $0xFFFFE000  }
0x22: {  	[hbm4b:s11+s3] =	stream.linear.scatter [tilespmem:s8], [sflag:$0x2], $0x2000, $0x38;
	[tilespmem:$0x2080] =	vst v63  }
0x23: {  	_ =	swait.ge [sflag:s7], $0x2000  }
0x24: {  	s13 =	smov.u32 s15;
	s11 =	sadd.s32 $0x400, s11;
	[sflag:s7] =	ssyncset.done $0x0  }
0x25: {  	s12 =	sadd.s32 s12, s6;
	[sflag:s7] =	ssyncadd.s32 $0xFFFFE000  }
0x26: {  	[tilespmem:s3], [sflag:$0x2] =	stream.linear.gather [hbm4b:s12+s3], $0x80, $0x38;
	[tilespmem:$0x2080] =	vst v63  }
0x27: {  	_ =	swait.ge [sflag:s7], $0x80  }
0x28: {  	[sflag:s7] =	ssyncset.done $0x0  }
0x29: {  	[sflag:s7] =	ssyncadd.s32 $0xFFFFFF80  }
0x2a: {  	[tilespmem:s8], [sflag:$0x1] =	stream.indirect.gather [hbm4b:s1+s8], $0x40, s3, s8, $0xb8;
	[tilespmem:$0x2080] =	vst v63  }
0x2b: {  	s10 =	sadd.s32 $0x1, s10;
	_ =	swait.ge [sflag:s9], $0x2000  }
0x2c: {  	p0 =	sne.s32 s10, s4;
	[sflag:s9] =	ssyncset.done $0x0  }
.Ltmp1:
0x2d: {  	[sflag:s9] =	ssyncadd.s32 $0xFFFFE000;
	(pc) =	sbr.rel @p0 .LBB2_1-.Ltmp1, $4  }
0x2e: {  	[hbm4b:s11+s3] =	stream.linear.scatter [tilespmem:s8], [sflag:$0x2], $0x2000, $0x38;
	[tilespmem:$0x2080] =	vst v63  }
0x2f: {  	_ =	swait.ge [sflag:s7], $0x2000  }
0x30: {  	[sflag:s7] =	ssyncset.done $0x0  }
0x31: {  	[sflag:s7] =	ssyncadd.s32 $0xFFFFE000  }
0x32: {  	_ =	sfence.sel $0x180000  }
0x33: {  	[bflag:$0x0] =	sbarrier.arrive $0xFFFF  }
0x34: {  	p0 =	sne.s32 s2, $0x0;
	_ =	strace $0x90000047  }
0x35: {  	s0 =	sadd.s32 @!p0 $0x100000, s0;
	[bflag:$0x2] =	sbarrier.arrive $0xFFFF  }
0x36: {  	[sflag:s0] =	ssyncadd.tile.s32 @!p0 $0x1;
	_ =	shalt  }
.Lfunc_end2:
_tile_overlayer_lowered:
.L_overlay_start_2:
0x37: {  	(tag) =	ssettag $0x2  }
0x38: {  	s0 =	rddreg [dreg:$0x0];
	s2 =	stileid.u32  }
0x39: {  	s1 =	rddreg [dreg:$0x1];
	p0 =	sne.s32 s2, $0x0  }
0x3a: {  	s3 =	rddreg [dreg:$0x2];
	[bflag:$0x3] =	sbarrier.arrive $0xFFFF;
	s2 =	simm.s32 @!p0 $0x1C02  }
0x3b: {  	[timem:s3], [sflag:s2] =	dma.local @!p0 [hbm:s0], s1  }
0x3c: {  	s0 =	simm.s32 @!p0 $0x2  }
0x3d: {  	_ =	swait.ge @!p0 [sflag:s0], s1  }
0x3e: {  	s1 =	ssub.s32 @!p0 $0x0, s1;
	[sflag:s0] =	ssyncset.done @!p0 $0x0  }
0x3f: {  	[sflag:s0] =	ssyncadd.s32 @!p0 s1  }
0x40: {  	[bflag:$0x3] =	sbarrier.arrive $0xFFFF  }
0x41: {  	_ =	shalt  }

</sc_bundles>
